<compile_context>
chip_gen: v7x
topology: tpu7x:2x2x1
jax: 0.10.2.dev20260603
libtpu: 0.0.44.dev20260713+nightly
codegen_flags: <defaults>
</compile_context>

<pallas_src>
import jax
import jax.numpy as jnp
from jax.experimental import pallas as pl
from jax.experimental.pallas import tpu as pltpu

F32 = jnp.float32
L = 256
N_CAND = 64
K_NN = 9
G = 8
R = G * L

_OFFSETS = [(dy, dx) for dy in (-1, 0, 1) for dx in (-1, 0, 1)]


def _mm(a, b, prec=None):
    return jax.lax.dot_general(
        a, b, (((1,), (0,)), ((), ())),
        preferred_element_type=F32, precision=prec)


def _mm_rt(a, b, prec=None):
    return jax.lax.dot_general(
        a, b, (((1,), (1,)), ((), ())),
        preferred_element_type=F32, precision=prec)


def _roll_rows(x, s):
    s = s % x.shape[0]
    if s == 0:
        return x
    return jnp.concatenate([x[s:, :], x[:s, :]], axis=0)


def _convnn_layer(x_all, masks, sel, lt, wc_t, wn_t, wp_t, bc, bn, bp,
                  cdim, odim):
    pieces = []
    for j, (dy, dx) in enumerate(_OFFSETS):
        pieces.append(_roll_rows(x_all, dy * 16 + dx) * masks[j])
    xim = jnp.concatenate(pieces, axis=1)
    b1 = _mm(xim, wc_t) + bc

    cands, sims = [], []
    for g in range(G):
        xg = x_all[g * L:(g + 1) * L, :]
        cg = _mm(sel, xg)
        cands.append(cg)
        sims.append(_mm_rt(xg, cg))
    cand_all = jnp.concatenate(cands, axis=0)
    s = jnp.concatenate(sims, axis=0)

    onehots = []
    for _ in range(K_NN):
        m = jnp.max(s, axis=1, keepdims=True)
        hitb = s == m
        cnt = _mm(hitb.astype(F32), lt)
        ohb = hitb & (cnt < 0.5)
        onehots.append(ohb.astype(F32))
        s = jnp.where(ohb, -jnp.inf, s)

    p_all = _mm(cand_all, wn_t)
    b2s = []
    for g in range(G):
        a_g = jnp.concatenate(
            [oh[g * L:(g + 1) * L, :] for oh in onehots], axis=1)
        p_g = jnp.concatenate(
            [p_all[g * N_CAND:(g + 1) * N_CAND, k * odim:(k + 1) * odim]
             for k in range(K_NN)], axis=0)
        b2s.append(_mm(a_g, p_g, jax.lax.Precision.HIGHEST))
    b2 = jnp.concatenate(b2s, axis=0) + bn

    cat = jnp.concatenate([b1, b2], axis=1)
    return jax.nn.relu(_mm(cat, wp_t) + bp)


def _conv_kernel(x_ref, si1_ref, si2_ref,
                 wc1_ref, wn1_ref, wp1_ref, bc1_ref, bn1_ref, bp1_ref,
                 wc2_ref, wn2_ref, wp2_ref, bc2_ref, bn2_ref, bp2_ref,
                 out_ref):
    r_iota = jax.lax.broadcasted_iota(jnp.int32, (R, 1), 0)
    l_pix = r_iota % L
    h, w = l_pix // 16, l_pix % 16
    masks = []
    for dy, dx in _OFFSETS:
        ok = (h + dy >= 0) & (h + dy <= 15) & (w + dx >= 0) & (w + dx <= 15)
        masks.append(ok.astype(F32))

    iota_l1 = jax.lax.broadcasted_iota(jnp.int32, (N_CAND, L), 1)
    sel1 = (si1_ref[...] == iota_l1).astype(F32)
    sel2 = (si2_ref[...] == iota_l1).astype(F32)

    r_n = jax.lax.broadcasted_iota(jnp.int32, (N_CAND, N_CAND), 0)
    c_n = jax.lax.broadcasted_iota(jnp.int32, (N_CAND, N_CAND), 1)
    lt = (r_n < c_n).astype(F32)

    x1 = x_ref[...]
    h1 = _convnn_layer(x1, masks, sel1, lt, wc1_ref[...], wn1_ref[...],
                       wp1_ref[...], bc1_ref[...], bn1_ref[...], bp1_ref[...],
                       12, 16)
    h2 = _convnn_layer(h1, masks, sel2, lt, wc2_ref[...], wn2_ref[...],
                       wp2_ref[...], bc2_ref[...], bn2_ref[...], bp2_ref[...],
                       64, 32)
    out_ref[...] = h2


def _fc1_kernel(h_ref, w_ref, b_ref, z_ref, acc_ref):
    k = pl.program_id(1)
    nk = pl.num_programs(1)

    @pl.when(k == 0)
    def _():
        acc_ref[...] = jnp.zeros_like(acc_ref)

    acc_ref[...] += _mm(h_ref[...], w_ref[...])

    @pl.when(k == nk - 1)
    def _():
        z_ref[...] = jax.nn.relu(acc_ref[...] + b_ref[...])


def _fc2_kernel(z_ref, w_ref, b_ref, out_ref):
    out_ref[...] = _mm_rt(z_ref[...], w_ref[...]) + b_ref[...]


def kernel(x, W1c, b1c, W1n, b1n, W1p, b1p, W2c, b2c, W2n, b2n, W2p, b2p,
           Wfc1, bfc1, Wfc2, bfc2, sample_idx1, sample_idx2):
    B = x.shape[0]

    xu = x.reshape(B, 3, 16, 2, 16, 2).transpose(0, 1, 3, 5, 2, 4)
    xu = xu.reshape(B, 12, 256).transpose(0, 2, 1).reshape(B * L, 12)

    wc1_t = W1c.transpose(2, 3, 1, 0).reshape(9 * 12, 16)
    wc2_t = W2c.transpose(2, 3, 1, 0).reshape(9 * 64, 32)
    wn1_t = W1n.transpose(1, 2, 0).reshape(12, 9 * 16)
    wn2_t = W2n.transpose(1, 2, 0).reshape(64, 9 * 32)
    wp1_t = W1p.reshape(64, 32).transpose(1, 0)
    wp2_t = W2p.reshape(128, 64).transpose(1, 0)
    row = lambda v: v.reshape(1, -1)
    si1 = sample_idx1.reshape(N_CAND, 1)
    si2 = sample_idx2.reshape(N_CAND, 1)


    full = lambda shape: pl.BlockSpec(shape, lambda ii: (0, 0))
    h2 = pl.pallas_call(
        _conv_kernel,
        grid=(B // G,),
        in_specs=[
            pl.BlockSpec((R, 12), lambda ii: (ii, 0)),
            full((N_CAND, 1)), full((N_CAND, 1)),
            full(wc1_t.shape), full(wn1_t.shape), full(wp1_t.shape),
            full((1, 16)), full((1, 16)), full((1, 64)),
            full(wc2_t.shape), full(wn2_t.shape), full(wp2_t.shape),
            full((1, 32)), full((1, 32)), full((1, 128)),
        ],
        out_specs=pl.BlockSpec((R, 128), lambda ii: (ii, 0)),
        out_shape=jax.ShapeDtypeStruct((B * L, 128), F32),
        compiler_params=pltpu.CompilerParams(
            dimension_semantics=("parallel",)),
    )(xu, si1, si2, wc1_t, wn1_t, wp1_t, row(b1c), row(b1n), row(b1p),
      wc2_t, wn2_t, wp2_t, row(b2c), row(b2n), row(b2p))

    hflat = h2.reshape(B, 32768)

    w1r = (Wfc1.reshape(1024, 32, 16, 2, 16, 2)
           .transpose(2, 4, 1, 3, 5, 0).reshape(32768, 1024))

    KT, NT = 2048, 512
    z = pl.pallas_call(
        _fc1_kernel,
        grid=(1024 // NT, 32768 // KT),
        in_specs=[
            pl.BlockSpec((B, KT), lambda n, k: (0, k)),
            pl.BlockSpec((KT, NT), lambda n, k: (k, n)),
            pl.BlockSpec((1, NT), lambda n, k: (0, n)),
        ],
        out_specs=pl.BlockSpec((B, NT), lambda n, k: (0, n)),
        out_shape=jax.ShapeDtypeStruct((B, 1024), F32),
        scratch_shapes=[pltpu.VMEM((B, NT), F32)],
        compiler_params=pltpu.CompilerParams(
            dimension_semantics=("parallel", "arbitrary")),
    )(hflat, w1r, row(bfc1))

    return pl.pallas_call(
        _fc2_kernel,
        in_specs=[pl.BlockSpec(z.shape, lambda: (0, 0)),
                  pl.BlockSpec(Wfc2.shape, lambda: (0, 0)),
                  pl.BlockSpec((1, 10), lambda: (0, 0))],
        out_specs=pl.BlockSpec((B, 10), lambda: (0, 0)),
        out_shape=jax.ShapeDtypeStruct((B, 10), F32),
    )(z, Wfc2, row(bfc2))

# --- scband reference (transcript-rebuilt; emitter-appended) ---
"""Pipeline reference for scband-b-conv2d-conv-nn-k-n-20435454394603 (READ-ONLY COPY).

The authoritative reference and input builder live on the scoring server;
editing this copy changes nothing except your own understanding.
"""

import jax, jax.numpy as jnp
import numpy as np


def pixel_unshuffle(x, s):
    B, C, H, W = x.shape
    x = x.reshape(B, C, H // s, s, W // s, s)
    x = x.transpose(0, 1, 3, 5, 2, 4)
    return x.reshape(B, C * s * s, H // s, W // s)


def pixel_shuffle(x, s):
    B, C, H, W = x.shape
    c = C // (s * s)
    x = x.reshape(B, c, s, s, H, W)
    x = x.transpose(0, 1, 4, 2, 5, 3)
    return x.reshape(B, c, H * s, W * s)


def conv2d_same(x, w, b):
    out = jax.lax.conv_general_dilated(x, w, (1, 1), 'SAME', dimension_numbers=('NCHW', 'OIHW', 'NCHW'))
    return out + b[None, :, None, None]


def convnn_branching(x, Wc, bc, Wn, bn, Wp, bp, sample_idx, K, s):
    # 'BA' shuffle pattern: pixel-unshuffle Before, pixel-shuffle After
    x = pixel_unshuffle(x, s)
    B, C, H, W = x.shape
    L = H * W
    # branch 1: ordinary conv2d
    b1 = conv2d_same(x, Wc, bc)
    # branch 2: ConvNN with N random candidate pixels and K nearest neighbors
    flat = x.reshape(B, C, L)
    cand = flat[:, :, sample_idx]                      # gather N candidate tokens: [B, C, N]
    sim = jnp.einsum('bcl,bcn->bln', flat, cand)       # similarity of every pixel to candidates
    _, idx = jax.lax.top_k(sim, K)                     # K nearest candidates per pixel: [B, L, K]
    gathered = jnp.take_along_axis(cand[:, :, None, :], idx[:, None, :, :], axis=3)  # [B, C, L, K]
    b2 = jnp.einsum('bclk,ock->bol', gathered, Wn) + bn[None, :, None]               # conv over K neighbors
    b2 = b2.reshape(B, b2.shape[1], H, W)
    cat = jnp.concatenate([b1, b2], axis=1)
    out = jax.nn.relu(conv2d_same(cat, Wp, bp))        # 1x1 fuse to out_ch * s^2
    return pixel_shuffle(out, s)


def _forward(x, params, sample_idx1, sample_idx2):
    (W1c, b1c, W1n, b1n, W1p, b1p, W2c, b2c, W2n, b2n, W2p, b2p, Wfc1, bfc1, Wfc2, bfc2) = params
    h = convnn_branching(x, W1c, b1c, W1n, b1n, W1p, b1p, sample_idx1, 9, 2)
    h = convnn_branching(h, W2c, b2c, W2n, b2n, W2p, b2p, sample_idx2, 9, 2)
    h = h.reshape(h.shape[0], -1)
    h = jax.nn.relu(h @ Wfc1.T + bfc1)
    return h @ Wfc2.T + bfc2


def setup_inputs(seed: int = 0):
    key = jax.random.key(seed)
    ks = jax.random.split(key, 10)
    B = 256
    x = jax.random.normal(ks[0], (B, 3, 32, 32), dtype=jnp.float32)
    rng = np.random.RandomState(0)
    sample_idx1 = jnp.asarray(np.sort(rng.choice(256, 64, replace=False)).astype(np.int32))
    sample_idx2 = jnp.asarray(np.sort(rng.choice(256, 64, replace=False)).astype(np.int32))

    def init(k, shape, fan_in):
        return (jax.random.normal(k, shape, dtype=jnp.float32) / np.sqrt(fan_in)).astype(jnp.float32)

    return {
        'x': x,
        'W1c': init(ks[1], (16, 12, 3, 3), 108), 'b1c': jnp.zeros((16,), jnp.float32),
        'W1n': init(ks[2], (16, 12, 9), 108), 'b1n': jnp.zeros((16,), jnp.float32),
        'W1p': init(ks[3], (64, 32, 1, 1), 32), 'b1p': jnp.zeros((64,), jnp.float32),
        'W2c': init(ks[4], (32, 64, 3, 3), 576), 'b2c': jnp.zeros((32,), jnp.float32),
        'W2n': init(ks[5], (32, 64, 9), 576), 'b2n': jnp.zeros((32,), jnp.float32),
        'W2p': init(ks[6], (128, 64, 1, 1), 64), 'b2p': jnp.zeros((128,), jnp.float32),
        'Wfc1': init(ks[7], (1024, 32768), 32768), 'bfc1': jnp.zeros((1024,), jnp.float32),
        'Wfc2': init(ks[8], (10, 1024), 1024), 'bfc2': jnp.zeros((10,), jnp.float32),
        'sample_idx1': sample_idx1,
        'sample_idx2': sample_idx2,
    }


def reference(x, W1c, b1c, W1n, b1n, W1p, b1p, W2c, b2c, W2n, b2n, W2p, b2p, Wfc1, bfc1, Wfc2, bfc2, sample_idx1, sample_idx2):
    params = (W1c, b1c, W1n, b1n, W1p, b1p, W2c, b2c, W2n, b2n, W2p, b2p, Wfc1, bfc1, Wfc2, bfc2)
    return _forward(x, params, sample_idx1, sample_idx2)

if __name__ == "__main__":
    import jax
    _d = setup_inputs()
    print(jax.jit(kernel)(*tuple(_d.values())))

</pallas_src>

<mosaic_0001>
module attributes {stable_mosaic.version = 14 : i64} {
  func.func @_conv_kernel(%arg0: i32, %arg1: memref<2048x12xf32, #tpu.memory_space<vmem>>, %arg2: memref<64x1xi32, #tpu.memory_space<vmem>>, %arg3: memref<64x1xi32, #tpu.memory_space<vmem>>, %arg4: memref<108x16xf32, #tpu.memory_space<vmem>>, %arg5: memref<12x144xf32, #tpu.memory_space<vmem>>, %arg6: memref<32x64xf32, #tpu.memory_space<vmem>>, %arg7: memref<1x16xf32, #tpu.memory_space<vmem>>, %arg8: memref<1x16xf32, #tpu.memory_space<vmem>>, %arg9: memref<1x64xf32, #tpu.memory_space<vmem>>, %arg10: memref<576x32xf32, #tpu.memory_space<vmem>>, %arg11: memref<64x288xf32, #tpu.memory_space<vmem>>, %arg12: memref<64x128xf32, #tpu.memory_space<vmem>>, %arg13: memref<1x32xf32, #tpu.memory_space<vmem>>, %arg14: memref<1x32xf32, #tpu.memory_space<vmem>>, %arg15: memref<1x128xf32, #tpu.memory_space<vmem>>, %arg16: memref<2048x128xf32, #tpu.memory_space<vmem>>) attributes {dimension_semantics = [#tpu.dimension_semantics<parallel>], iteration_bounds = array<i64: 32>, scalar_prefetch = 0 : i64, scratch_operands = 0 : i64, tpu.core_type = #tpu.core_type<tc>, window_params = [{transform_indices = @transform_0, window_bounds = array<i64: 2048, 12>}, {pipeline_mode = #tpu.pipeline_mode<synchronous>, transform_indices = @transform_1, window_bounds = array<i64: 64, 1>}, {pipeline_mode = #tpu.pipeline_mode<synchronous>, transform_indices = @transform_2, window_bounds = array<i64: 64, 1>}, {pipeline_mode = #tpu.pipeline_mode<synchronous>, transform_indices = @transform_3, window_bounds = array<i64: 108, 16>}, {pipeline_mode = #tpu.pipeline_mode<synchronous>, transform_indices = @transform_4, window_bounds = array<i64: 12, 144>}, {pipeline_mode = #tpu.pipeline_mode<synchronous>, transform_indices = @transform_5, window_bounds = array<i64: 32, 64>}, {pipeline_mode = #tpu.pipeline_mode<synchronous>, transform_indices = @transform_6, window_bounds = array<i64: 1, 16>}, {pipeline_mode = #tpu.pipeline_mode<synchronous>, transform_indices = @transform_7, window_bounds = array<i64: 1, 16>}, {pipeline_mode = #tpu.pipeline_mode<synchronous>, transform_indices = @transform_8, window_bounds = array<i64: 1, 64>}, {pipeline_mode = #tpu.pipeline_mode<synchronous>, transform_indices = @transform_9, window_bounds = array<i64: 576, 32>}, {pipeline_mode = #tpu.pipeline_mode<synchronous>, transform_indices = @transform_10, window_bounds = array<i64: 64, 288>}, {pipeline_mode = #tpu.pipeline_mode<synchronous>, transform_indices = @transform_11, window_bounds = array<i64: 64, 128>}, {pipeline_mode = #tpu.pipeline_mode<synchronous>, transform_indices = @transform_12, window_bounds = array<i64: 1, 32>}, {pipeline_mode = #tpu.pipeline_mode<synchronous>, transform_indices = @transform_13, window_bounds = array<i64: 1, 32>}, {pipeline_mode = #tpu.pipeline_mode<synchronous>, transform_indices = @transform_14, window_bounds = array<i64: 1, 128>}, {transform_indices = @transform_15, window_bounds = array<i64: 2048, 128>}]} {
    %iota3A = tpu.iota {dimensions = array<i32: 0>} : vector<2048x1xi32>
    %jit3A = arith.constant 256 : i32
    %eq3A = arith.constant 0 : i32
    %eq3A_0 = arith.cmpi eq, %jit3A, %eq3A : i32
    %jit3A_1 = arith.constant 1 : i32
    %select_n3A = arith.select %eq3A_0, %jit3A_1, %jit3A : i32
    %rem3A = vector.broadcast %select_n3A : i32 to vector<2048x1xi32>
    %rem3A_2 = arith.remsi %iota3A, %rem3A : vector<2048x1xi32>
    %ne3A = arith.constant 0 : i32
    %ne3A_3 = vector.broadcast %ne3A : i32 to vector<2048x1xi32>
    %ne3A_4 = arith.cmpi ne, %rem3A_2, %ne3A_3 : vector<2048x1xi32>
    %lt3A = arith.constant 0 : i32
    %lt3A_5 = vector.broadcast %lt3A : i32 to vector<2048x1xi32>
    %lt3A_6 = arith.cmpi slt, %rem3A_2, %lt3A_5 : vector<2048x1xi32>
    %lt3A_7 = arith.constant 0 : i32
    %lt3A_8 = arith.cmpi slt, %select_n3A, %lt3A_7 : i32
    %ne3A_9 = vector.broadcast %lt3A_8 : i1 to vector<2048x1xi1>
    %ne3A_10 = vector.broadcast %ne3A_9 : vector<2048x1xi1> to vector<2048x1xi1>
    %ne3A_11 = arith.xori %lt3A_6, %ne3A_10 : vector<2048x1xi1>
    %and3A = arith.andi %ne3A_11, %ne3A_4 : vector<2048x1xi1>
    %add3A = vector.broadcast %select_n3A : i32 to vector<2048x1xi32>
    %add3A_12 = arith.addi %rem3A_2, %add3A : vector<2048x1xi32>
    %select_n3A_13 = arith.select %and3A, %add3A_12, %rem3A_2 : vector<2048x1xi1>, vector<2048x1xi32>
    %jit3A_14 = arith.constant 16 : i32
    %div3A = vector.broadcast %jit3A_14 : i32 to vector<2048x1xi32>
    %div3A_15 = arith.divsi %select_n3A_13, %div3A : vector<2048x1xi32>
    %sign3A = arith.constant 0 : i32
    %sign3A_16 = vector.broadcast %sign3A : i32 to vector<2048x1xi32>
    %sign3A_17 = arith.cmpi sgt, %select_n3A_13, %sign3A_16 : vector<2048x1xi32>
    %sign3A_18 = arith.extui %sign3A_17 : vector<2048x1xi1> to vector<2048x1xi32>
    %sign3A_19 = arith.constant 0 : i32
    %sign3A_20 = vector.broadcast %sign3A_19 : i32 to vector<2048x1xi32>
    %sign3A_21 = arith.cmpi slt, %select_n3A_13, %sign3A_20 : vector<2048x1xi32>
    %sign3A_22 = arith.extui %sign3A_21 : vector<2048x1xi1> to vector<2048x1xi32>
    %sign3A_23 = arith.subi %sign3A_18, %sign3A_22 : vector<2048x1xi32>
    %sign3A_24 = arith.constant 0 : i32
    %sign3A_25 = arith.cmpi sgt, %jit3A_14, %sign3A_24 : i32
    %sign3A_26 = arith.extui %sign3A_25 : i1 to i32
    %sign3A_27 = arith.constant 0 : i32
    %sign3A_28 = arith.cmpi slt, %jit3A_14, %sign3A_27 : i32
    %sign3A_29 = arith.extui %sign3A_28 : i1 to i32
    %sign3A_30 = arith.subi %sign3A_26, %sign3A_29 : i32
    %ne3A_31 = vector.broadcast %sign3A_30 : i32 to vector<2048x1xi32>
    %ne3A_32 = arith.cmpi ne, %sign3A_23, %ne3A_31 : vector<2048x1xi32>
    %rem3A_33 = vector.broadcast %jit3A_14 : i32 to vector<2048x1xi32>
    %rem3A_34 = arith.remsi %select_n3A_13, %rem3A_33 : vector<2048x1xi32>
    %ne3A_35 = arith.constant 0 : i32
    %ne3A_36 = vector.broadcast %ne3A_35 : i32 to vector<2048x1xi32>
    %ne3A_37 = arith.cmpi ne, %rem3A_34, %ne3A_36 : vector<2048x1xi32>
    %and3A_38 = arith.andi %ne3A_32, %ne3A_37 : vector<2048x1xi1>
    %sub3A = arith.constant 1 : i32
    %sub3A_39 = vector.broadcast %sub3A : i32 to vector<2048x1xi32>
    %sub3A_40 = arith.subi %div3A_15, %sub3A_39 : vector<2048x1xi32>
    %select_n3A_41 = arith.select %and3A_38, %sub3A_40, %div3A_15 : vector<2048x1xi1>, vector<2048x1xi32>
    %jit3A_42 = arith.constant 16 : i32
    %eq3A_43 = arith.constant 0 : i32
    %eq3A_44 = arith.cmpi eq, %jit3A_42, %eq3A_43 : i32
    %jit3A_45 = arith.constant 1 : i32
    %select_n3A_46 = arith.select %eq3A_44, %jit3A_45, %jit3A_42 : i32
    %rem3A_47 = vector.broadcast %select_n3A_46 : i32 to vector<2048x1xi32>
    %rem3A_48 = arith.remsi %select_n3A_13, %rem3A_47 : vector<2048x1xi32>
    %ne3A_49 = arith.constant 0 : i32
    %ne3A_50 = vector.broadcast %ne3A_49 : i32 to vector<2048x1xi32>
    %ne3A_51 = arith.cmpi ne, %rem3A_48, %ne3A_50 : vector<2048x1xi32>
    %lt3A_52 = arith.constant 0 : i32
    %lt3A_53 = vector.broadcast %lt3A_52 : i32 to vector<2048x1xi32>
    %lt3A_54 = arith.cmpi slt, %rem3A_48, %lt3A_53 : vector<2048x1xi32>
    %lt3A_55 = arith.constant 0 : i32
    %lt3A_56 = arith.cmpi slt, %select_n3A_46, %lt3A_55 : i32
    %ne3A_57 = vector.broadcast %lt3A_56 : i1 to vector<2048x1xi1>
    %ne3A_58 = vector.broadcast %ne3A_57 : vector<2048x1xi1> to vector<2048x1xi1>
    %ne3A_59 = arith.xori %lt3A_54, %ne3A_58 : vector<2048x1xi1>
    %and3A_60 = arith.andi %ne3A_59, %ne3A_51 : vector<2048x1xi1>
    %add3A_61 = vector.broadcast %select_n3A_46 : i32 to vector<2048x1xi32>
    %add3A_62 = arith.addi %rem3A_48, %add3A_61 : vector<2048x1xi32>
    %select_n3A_63 = arith.select %and3A_60, %add3A_62, %rem3A_48 : vector<2048x1xi1>, vector<2048x1xi32>
    %add3A_64 = arith.constant -1 : i32
    %add3A_65 = vector.broadcast %add3A_64 : i32 to vector<2048x1xi32>
    %add3A_66 = arith.addi %select_n3A_41, %add3A_65 : vector<2048x1xi32>
    %ge3A = arith.constant 0 : i32
    %ge3A_67 = vector.broadcast %ge3A : i32 to vector<2048x1xi32>
    %ge3A_68 = arith.cmpi sge, %add3A_66, %ge3A_67 : vector<2048x1xi32>
    %add3A_69 = arith.constant -1 : i32
    %add3A_70 = vector.broadcast %add3A_69 : i32 to vector<2048x1xi32>
    %add3A_71 = arith.addi %select_n3A_41, %add3A_70 : vector<2048x1xi32>
    %le3A = arith.constant 15 : i32
    %le3A_72 = vector.broadcast %le3A : i32 to vector<2048x1xi32>
    %le3A_73 = arith.cmpi sle, %add3A_71, %le3A_72 : vector<2048x1xi32>
    %and3A_74 = arith.andi %ge3A_68, %le3A_73 : vector<2048x1xi1>
    %add3A_75 = arith.constant -1 : i32
    %add3A_76 = vector.broadcast %add3A_75 : i32 to vector<2048x1xi32>
    %add3A_77 = arith.addi %select_n3A_63, %add3A_76 : vector<2048x1xi32>
    %ge3A_78 = arith.constant 0 : i32
    %ge3A_79 = vector.broadcast %ge3A_78 : i32 to vector<2048x1xi32>
    %ge3A_80 = arith.cmpi sge, %add3A_77, %ge3A_79 : vector<2048x1xi32>
    %and3A_81 = arith.andi %and3A_74, %ge3A_80 : vector<2048x1xi1>
    %add3A_82 = arith.constant -1 : i32
    %add3A_83 = vector.broadcast %add3A_82 : i32 to vector<2048x1xi32>
    %add3A_84 = arith.addi %select_n3A_63, %add3A_83 : vector<2048x1xi32>
    %le3A_85 = arith.constant 15 : i32
    %le3A_86 = vector.broadcast %le3A_85 : i32 to vector<2048x1xi32>
    %le3A_87 = arith.cmpi sle, %add3A_84, %le3A_86 : vector<2048x1xi32>
    %and3A_88 = arith.andi %and3A_81, %le3A_87 : vector<2048x1xi1>
    %convert_element_type3A = arith.extui %and3A_88 : vector<2048x1xi1> to vector<2048x1xi32>
    %convert_element_type3A_89 = arith.sitofp %convert_element_type3A : vector<2048x1xi32> to vector<2048x1xf32>
    %add3A_90 = arith.constant -1 : i32
    %add3A_91 = vector.broadcast %add3A_90 : i32 to vector<2048x1xi32>
    %add3A_92 = arith.addi %select_n3A_41, %add3A_91 : vector<2048x1xi32>
    %ge3A_93 = arith.constant 0 : i32
    %ge3A_94 = vector.broadcast %ge3A_93 : i32 to vector<2048x1xi32>
    %ge3A_95 = arith.cmpi sge, %add3A_92, %ge3A_94 : vector<2048x1xi32>
    %add3A_96 = arith.constant -1 : i32
    %add3A_97 = vector.broadcast %add3A_96 : i32 to vector<2048x1xi32>
    %add3A_98 = arith.addi %select_n3A_41, %add3A_97 : vector<2048x1xi32>
    %le3A_99 = arith.constant 15 : i32
    %le3A_100 = vector.broadcast %le3A_99 : i32 to vector<2048x1xi32>
    %le3A_101 = arith.cmpi sle, %add3A_98, %le3A_100 : vector<2048x1xi32>
    %and3A_102 = arith.andi %ge3A_95, %le3A_101 : vector<2048x1xi1>
    %add3A_103 = arith.constant 0 : i32
    %add3A_104 = vector.broadcast %add3A_103 : i32 to vector<2048x1xi32>
    %add3A_105 = arith.addi %select_n3A_63, %add3A_104 : vector<2048x1xi32>
    %ge3A_106 = arith.constant 0 : i32
    %ge3A_107 = vector.broadcast %ge3A_106 : i32 to vector<2048x1xi32>
    %ge3A_108 = arith.cmpi sge, %add3A_105, %ge3A_107 : vector<2048x1xi32>
    %and3A_109 = arith.andi %and3A_102, %ge3A_108 : vector<2048x1xi1>
    %add3A_110 = arith.constant 0 : i32
    %add3A_111 = vector.broadcast %add3A_110 : i32 to vector<2048x1xi32>
    %add3A_112 = arith.addi %select_n3A_63, %add3A_111 : vector<2048x1xi32>
    %le3A_113 = arith.constant 15 : i32
    %le3A_114 = vector.broadcast %le3A_113 : i32 to vector<2048x1xi32>
    %le3A_115 = arith.cmpi sle, %add3A_112, %le3A_114 : vector<2048x1xi32>
    %and3A_116 = arith.andi %and3A_109, %le3A_115 : vector<2048x1xi1>
    %convert_element_type3A_117 = arith.extui %and3A_116 : vector<2048x1xi1> to vector<2048x1xi32>
    %convert_element_type3A_118 = arith.sitofp %convert_element_type3A_117 : vector<2048x1xi32> to vector<2048x1xf32>
    %add3A_119 = arith.constant -1 : i32
    %add3A_120 = vector.broadcast %add3A_119 : i32 to vector<2048x1xi32>
    %add3A_121 = arith.addi %select_n3A_41, %add3A_120 : vector<2048x1xi32>
    %ge3A_122 = arith.constant 0 : i32
    %ge3A_123 = vector.broadcast %ge3A_122 : i32 to vector<2048x1xi32>
    %ge3A_124 = arith.cmpi sge, %add3A_121, %ge3A_123 : vector<2048x1xi32>
    %add3A_125 = arith.constant -1 : i32
    %add3A_126 = vector.broadcast %add3A_125 : i32 to vector<2048x1xi32>
    %add3A_127 = arith.addi %select_n3A_41, %add3A_126 : vector<2048x1xi32>
    %le3A_128 = arith.constant 15 : i32
    %le3A_129 = vector.broadcast %le3A_128 : i32 to vector<2048x1xi32>
    %le3A_130 = arith.cmpi sle, %add3A_127, %le3A_129 : vector<2048x1xi32>
    %and3A_131 = arith.andi %ge3A_124, %le3A_130 : vector<2048x1xi1>
    %add3A_132 = arith.constant 1 : i32
    %add3A_133 = vector.broadcast %add3A_132 : i32 to vector<2048x1xi32>
    %add3A_134 = arith.addi %select_n3A_63, %add3A_133 : vector<2048x1xi32>
    %ge3A_135 = arith.constant 0 : i32
    %ge3A_136 = vector.broadcast %ge3A_135 : i32 to vector<2048x1xi32>
    %ge3A_137 = arith.cmpi sge, %add3A_134, %ge3A_136 : vector<2048x1xi32>
    %and3A_138 = arith.andi %and3A_131, %ge3A_137 : vector<2048x1xi1>
    %add3A_139 = arith.constant 1 : i32
    %add3A_140 = vector.broadcast %add3A_139 : i32 to vector<2048x1xi32>
    %add3A_141 = arith.addi %select_n3A_63, %add3A_140 : vector<2048x1xi32>
    %le3A_142 = arith.constant 15 : i32
    %le3A_143 = vector.broadcast %le3A_142 : i32 to vector<2048x1xi32>
    %le3A_144 = arith.cmpi sle, %add3A_141, %le3A_143 : vector<2048x1xi32>
    %and3A_145 = arith.andi %and3A_138, %le3A_144 : vector<2048x1xi1>
    %convert_element_type3A_146 = arith.extui %and3A_145 : vector<2048x1xi1> to vector<2048x1xi32>
    %convert_element_type3A_147 = arith.sitofp %convert_element_type3A_146 : vector<2048x1xi32> to vector<2048x1xf32>
    %add3A_148 = arith.constant 0 : i32
    %add3A_149 = vector.broadcast %add3A_148 : i32 to vector<2048x1xi32>
    %add3A_150 = arith.addi %select_n3A_41, %add3A_149 : vector<2048x1xi32>
    %ge3A_151 = arith.constant 0 : i32
    %ge3A_152 = vector.broadcast %ge3A_151 : i32 to vector<2048x1xi32>
    %ge3A_153 = arith.cmpi sge, %add3A_150, %ge3A_152 : vector<2048x1xi32>
    %add3A_154 = arith.constant 0 : i32
    %add3A_155 = vector.broadcast %add3A_154 : i32 to vector<2048x1xi32>
    %add3A_156 = arith.addi %select_n3A_41, %add3A_155 : vector<2048x1xi32>
    %le3A_157 = arith.constant 15 : i32
    %le3A_158 = vector.broadcast %le3A_157 : i32 to vector<2048x1xi32>
    %le3A_159 = arith.cmpi sle, %add3A_156, %le3A_158 : vector<2048x1xi32>
    %and3A_160 = arith.andi %ge3A_153, %le3A_159 : vector<2048x1xi1>
    %add3A_161 = arith.constant -1 : i32
    %add3A_162 = vector.broadcast %add3A_161 : i32 to vector<2048x1xi32>
    %add3A_163 = arith.addi %select_n3A_63, %add3A_162 : vector<2048x1xi32>
    %ge3A_164 = arith.constant 0 : i32
    %ge3A_165 = vector.broadcast %ge3A_164 : i32 to vector<2048x1xi32>
    %ge3A_166 = arith.cmpi sge, %add3A_163, %ge3A_165 : vector<2048x1xi32>
    %and3A_167 = arith.andi %and3A_160, %ge3A_166 : vector<2048x1xi1>
    %add3A_168 = arith.constant -1 : i32
    %add3A_169 = vector.broadcast %add3A_168 : i32 to vector<2048x1xi32>
    %add3A_170 = arith.addi %select_n3A_63, %add3A_169 : vector<2048x1xi32>
    %le3A_171 = arith.constant 15 : i32
    %le3A_172 = vector.broadcast %le3A_171 : i32 to vector<2048x1xi32>
    %le3A_173 = arith.cmpi sle, %add3A_170, %le3A_172 : vector<2048x1xi32>
    %and3A_174 = arith.andi %and3A_167, %le3A_173 : vector<2048x1xi1>
    %convert_element_type3A_175 = arith.extui %and3A_174 : vector<2048x1xi1> to vector<2048x1xi32>
    %convert_element_type3A_176 = arith.sitofp %convert_element_type3A_175 : vector<2048x1xi32> to vector<2048x1xf32>
    %add3A_177 = arith.constant 0 : i32
    %add3A_178 = vector.broadcast %add3A_177 : i32 to vector<2048x1xi32>
    %add3A_179 = arith.addi %select_n3A_41, %add3A_178 : vector<2048x1xi32>
    %ge3A_180 = arith.constant 0 : i32
    %ge3A_181 = vector.broadcast %ge3A_180 : i32 to vector<2048x1xi32>
    %ge3A_182 = arith.cmpi sge, %add3A_179, %ge3A_181 : vector<2048x1xi32>
    %add3A_183 = arith.constant 0 : i32
    %add3A_184 = vector.broadcast %add3A_183 : i32 to vector<2048x1xi32>
    %add3A_185 = arith.addi %select_n3A_41, %add3A_184 : vector<2048x1xi32>
    %le3A_186 = arith.constant 15 : i32
    %le3A_187 = vector.broadcast %le3A_186 : i32 to vector<2048x1xi32>
    %le3A_188 = arith.cmpi sle, %add3A_185, %le3A_187 : vector<2048x1xi32>
    %and3A_189 = arith.andi %ge3A_182, %le3A_188 : vector<2048x1xi1>
    %add3A_190 = arith.constant 0 : i32
    %add3A_191 = vector.broadcast %add3A_190 : i32 to vector<2048x1xi32>
    %add3A_192 = arith.addi %select_n3A_63, %add3A_191 : vector<2048x1xi32>
    %ge3A_193 = arith.constant 0 : i32
    %ge3A_194 = vector.broadcast %ge3A_193 : i32 to vector<2048x1xi32>
    %ge3A_195 = arith.cmpi sge, %add3A_192, %ge3A_194 : vector<2048x1xi32>
    %and3A_196 = arith.andi %and3A_189, %ge3A_195 : vector<2048x1xi1>
    %add3A_197 = arith.constant 0 : i32
    %add3A_198 = vector.broadcast %add3A_197 : i32 to vector<2048x1xi32>
    %add3A_199 = arith.addi %select_n3A_63, %add3A_198 : vector<2048x1xi32>
    %le3A_200 = arith.constant 15 : i32
    %le3A_201 = vector.broadcast %le3A_200 : i32 to vector<2048x1xi32>
    %le3A_202 = arith.cmpi sle, %add3A_199, %le3A_201 : vector<2048x1xi32>
    %and3A_203 = arith.andi %and3A_196, %le3A_202 : vector<2048x1xi1>
    %convert_element_type3A_204 = arith.extui %and3A_203 : vector<2048x1xi1> to vector<2048x1xi32>
    %convert_element_type3A_205 = arith.sitofp %convert_element_type3A_204 : vector<2048x1xi32> to vector<2048x1xf32>
    %add3A_206 = arith.constant 0 : i32
    %add3A_207 = vector.broadcast %add3A_206 : i32 to vector<2048x1xi32>
    %add3A_208 = arith.addi %select_n3A_41, %add3A_207 : vector<2048x1xi32>
    %ge3A_209 = arith.constant 0 : i32
    %ge3A_210 = vector.broadcast %ge3A_209 : i32 to vector<2048x1xi32>
    %ge3A_211 = arith.cmpi sge, %add3A_208, %ge3A_210 : vector<2048x1xi32>
    %add3A_212 = arith.constant 0 : i32
    %add3A_213 = vector.broadcast %add3A_212 : i32 to vector<2048x1xi32>
    %add3A_214 = arith.addi %select_n3A_41, %add3A_213 : vector<2048x1xi32>
    %le3A_215 = arith.constant 15 : i32
    %le3A_216 = vector.broadcast %le3A_215 : i32 to vector<2048x1xi32>
    %le3A_217 = arith.cmpi sle, %add3A_214, %le3A_216 : vector<2048x1xi32>
    %and3A_218 = arith.andi %ge3A_211, %le3A_217 : vector<2048x1xi1>
    %add3A_219 = arith.constant 1 : i32
    %add3A_220 = vector.broadcast %add3A_219 : i32 to vector<2048x1xi32>
    %add3A_221 = arith.addi %select_n3A_63, %add3A_220 : vector<2048x1xi32>
    %ge3A_222 = arith.constant 0 : i32
    %ge3A_223 = vector.broadcast %ge3A_222 : i32 to vector<2048x1xi32>
    %ge3A_224 = arith.cmpi sge, %add3A_221, %ge3A_223 : vector<2048x1xi32>
    %and3A_225 = arith.andi %and3A_218, %ge3A_224 : vector<2048x1xi1>
    %add3A_226 = arith.constant 1 : i32
    %add3A_227 = vector.broadcast %add3A_226 : i32 to vector<2048x1xi32>
    %add3A_228 = arith.addi %select_n3A_63, %add3A_227 : vector<2048x1xi32>
    %le3A_229 = arith.constant 15 : i32
    %le3A_230 = vector.broadcast %le3A_229 : i32 to vector<2048x1xi32>
    %le3A_231 = arith.cmpi sle, %add3A_228, %le3A_230 : vector<2048x1xi32>
    %and3A_232 = arith.andi %and3A_225, %le3A_231 : vector<2048x1xi1>
    %convert_element_type3A_233 = arith.extui %and3A_232 : vector<2048x1xi1> to vector<2048x1xi32>
    %convert_element_type3A_234 = arith.sitofp %convert_element_type3A_233 : vector<2048x1xi32> to vector<2048x1xf32>
    %add3A_235 = arith.constant 1 : i32
    %add3A_236 = vector.broadcast %add3A_235 : i32 to vector<2048x1xi32>
    %add3A_237 = arith.addi %select_n3A_41, %add3A_236 : vector<2048x1xi32>
    %ge3A_238 = arith.constant 0 : i32
    %ge3A_239 = vector.broadcast %ge3A_238 : i32 to vector<2048x1xi32>
    %ge3A_240 = arith.cmpi sge, %add3A_237, %ge3A_239 : vector<2048x1xi32>
    %add3A_241 = arith.constant 1 : i32
    %add3A_242 = vector.broadcast %add3A_241 : i32 to vector<2048x1xi32>
    %add3A_243 = arith.addi %select_n3A_41, %add3A_242 : vector<2048x1xi32>
    %le3A_244 = arith.constant 15 : i32
    %le3A_245 = vector.broadcast %le3A_244 : i32 to vector<2048x1xi32>
    %le3A_246 = arith.cmpi sle, %add3A_243, %le3A_245 : vector<2048x1xi32>
    %and3A_247 = arith.andi %ge3A_240, %le3A_246 : vector<2048x1xi1>
    %add3A_248 = arith.constant -1 : i32
    %add3A_249 = vector.broadcast %add3A_248 : i32 to vector<2048x1xi32>
    %add3A_250 = arith.addi %select_n3A_63, %add3A_249 : vector<2048x1xi32>
    %ge3A_251 = arith.constant 0 : i32
    %ge3A_252 = vector.broadcast %ge3A_251 : i32 to vector<2048x1xi32>
    %ge3A_253 = arith.cmpi sge, %add3A_250, %ge3A_252 : vector<2048x1xi32>
    %and3A_254 = arith.andi %and3A_247, %ge3A_253 : vector<2048x1xi1>
    %add3A_255 = arith.constant -1 : i32
    %add3A_256 = vector.broadcast %add3A_255 : i32 to vector<2048x1xi32>
    %add3A_257 = arith.addi %select_n3A_63, %add3A_256 : vector<2048x1xi32>
    %le3A_258 = arith.constant 15 : i32
    %le3A_259 = vector.broadcast %le3A_258 : i32 to vector<2048x1xi32>
    %le3A_260 = arith.cmpi sle, %add3A_257, %le3A_259 : vector<2048x1xi32>
    %and3A_261 = arith.andi %and3A_254, %le3A_260 : vector<2048x1xi1>
    %convert_element_type3A_262 = arith.extui %and3A_261 : vector<2048x1xi1> to vector<2048x1xi32>
    %convert_element_type3A_263 = arith.sitofp %convert_element_type3A_262 : vector<2048x1xi32> to vector<2048x1xf32>
    %add3A_264 = arith.constant 1 : i32
    %add3A_265 = vector.broadcast %add3A_264 : i32 to vector<2048x1xi32>
    %add3A_266 = arith.addi %select_n3A_41, %add3A_265 : vector<2048x1xi32>
    %ge3A_267 = arith.constant 0 : i32
    %ge3A_268 = vector.broadcast %ge3A_267 : i32 to vector<2048x1xi32>
    %ge3A_269 = arith.cmpi sge, %add3A_266, %ge3A_268 : vector<2048x1xi32>
    %add3A_270 = arith.constant 1 : i32
    %add3A_271 = vector.broadcast %add3A_270 : i32 to vector<2048x1xi32>
    %add3A_272 = arith.addi %select_n3A_41, %add3A_271 : vector<2048x1xi32>
    %le3A_273 = arith.constant 15 : i32
    %le3A_274 = vector.broadcast %le3A_273 : i32 to vector<2048x1xi32>
    %le3A_275 = arith.cmpi sle, %add3A_272, %le3A_274 : vector<2048x1xi32>
    %and3A_276 = arith.andi %ge3A_269, %le3A_275 : vector<2048x1xi1>
    %add3A_277 = arith.constant 0 : i32
    %add3A_278 = vector.broadcast %add3A_277 : i32 to vector<2048x1xi32>
    %add3A_279 = arith.addi %select_n3A_63, %add3A_278 : vector<2048x1xi32>
    %ge3A_280 = arith.constant 0 : i32
    %ge3A_281 = vector.broadcast %ge3A_280 : i32 to vector<2048x1xi32>
    %ge3A_282 = arith.cmpi sge, %add3A_279, %ge3A_281 : vector<2048x1xi32>
    %and3A_283 = arith.andi %and3A_276, %ge3A_282 : vector<2048x1xi1>
    %add3A_284 = arith.constant 0 : i32
    %add3A_285 = vector.broadcast %add3A_284 : i32 to vector<2048x1xi32>
    %add3A_286 = arith.addi %select_n3A_63, %add3A_285 : vector<2048x1xi32>
    %le3A_287 = arith.constant 15 : i32
    %le3A_288 = vector.broadcast %le3A_287 : i32 to vector<2048x1xi32>
    %le3A_289 = arith.cmpi sle, %add3A_286, %le3A_288 : vector<2048x1xi32>
    %and3A_290 = arith.andi %and3A_283, %le3A_289 : vector<2048x1xi1>
    %convert_element_type3A_291 = arith.extui %and3A_290 : vector<2048x1xi1> to vector<2048x1xi32>
    %convert_element_type3A_292 = arith.sitofp %convert_element_type3A_291 : vector<2048x1xi32> to vector<2048x1xf32>
    %add3A_293 = arith.constant 1 : i32
    %add3A_294 = vector.broadcast %add3A_293 : i32 to vector<2048x1xi32>
    %add3A_295 = arith.addi %select_n3A_41, %add3A_294 : vector<2048x1xi32>
    %ge3A_296 = arith.constant 0 : i32
    %ge3A_297 = vector.broadcast %ge3A_296 : i32 to vector<2048x1xi32>
    %ge3A_298 = arith.cmpi sge, %add3A_295, %ge3A_297 : vector<2048x1xi32>
    %add3A_299 = arith.constant 1 : i32
    %add3A_300 = vector.broadcast %add3A_299 : i32 to vector<2048x1xi32>
    %add3A_301 = arith.addi %select_n3A_41, %add3A_300 : vector<2048x1xi32>
    %le3A_302 = arith.constant 15 : i32
    %le3A_303 = vector.broadcast %le3A_302 : i32 to vector<2048x1xi32>
    %le3A_304 = arith.cmpi sle, %add3A_301, %le3A_303 : vector<2048x1xi32>
    %and3A_305 = arith.andi %ge3A_298, %le3A_304 : vector<2048x1xi1>
    %add3A_306 = arith.constant 1 : i32
    %add3A_307 = vector.broadcast %add3A_306 : i32 to vector<2048x1xi32>
    %add3A_308 = arith.addi %select_n3A_63, %add3A_307 : vector<2048x1xi32>
    %ge3A_309 = arith.constant 0 : i32
    %ge3A_310 = vector.broadcast %ge3A_309 : i32 to vector<2048x1xi32>
    %ge3A_311 = arith.cmpi sge, %add3A_308, %ge3A_310 : vector<2048x1xi32>
    %and3A_312 = arith.andi %and3A_305, %ge3A_311 : vector<2048x1xi1>
    %add3A_313 = arith.constant 1 : i32
    %add3A_314 = vector.broadcast %add3A_313 : i32 to vector<2048x1xi32>
    %add3A_315 = arith.addi %select_n3A_63, %add3A_314 : vector<2048x1xi32>
    %le3A_316 = arith.constant 15 : i32
    %le3A_317 = vector.broadcast %le3A_316 : i32 to vector<2048x1xi32>
    %le3A_318 = arith.cmpi sle, %add3A_315, %le3A_317 : vector<2048x1xi32>
    %and3A_319 = arith.andi %and3A_312, %le3A_318 : vector<2048x1xi1>
    %convert_element_type3A_320 = arith.extui %and3A_319 : vector<2048x1xi1> to vector<2048x1xi32>
    %convert_element_type3A_321 = arith.sitofp %convert_element_type3A_320 : vector<2048x1xi32> to vector<2048x1xf32>
    %iota3A_322 = tpu.iota {dimensions = array<i32: 1>} : vector<64x256xi32>
    %get3A = arith.constant 0 : index
    %get3A_323 = arith.constant 0 : index
    %get3A_324 = vector.load %arg2[%get3A, %get3A_323] : memref<64x1xi32, #tpu.memory_space<vmem>>, vector<64x1xi32>
    %eq3A_325 = vector.broadcast %get3A_324 : vector<64x1xi32> to vector<64x256xi32>
    %eq3A_326 = arith.cmpi eq, %eq3A_325, %iota3A_322 : vector<64x256xi32>
    %convert_element_type3A_327 = arith.extui %eq3A_326 : vector<64x256xi1> to vector<64x256xi32>
    %convert_element_type3A_328 = arith.sitofp %convert_element_type3A_327 : vector<64x256xi32> to vector<64x256xf32>
    %get3A_329 = arith.constant 0 : index
    %get3A_330 = arith.constant 0 : index
    %get3A_331 = vector.load %arg3[%get3A_329, %get3A_330] : memref<64x1xi32, #tpu.memory_space<vmem>>, vector<64x1xi32>
    %eq3A_332 = vector.broadcast %get3A_331 : vector<64x1xi32> to vector<64x256xi32>
    %eq3A_333 = arith.cmpi eq, %eq3A_332, %iota3A_322 : vector<64x256xi32>
    %convert_element_type3A_334 = arith.extui %eq3A_333 : vector<64x256xi1> to vector<64x256xi32>
    %convert_element_type3A_335 = arith.sitofp %convert_element_type3A_334 : vector<64x256xi32> to vector<64x256xf32>
    %iota3A_336 = tpu.iota {dimensions = array<i32: 0>} : vector<64x64xi32>
    %iota3A_337 = tpu.iota {dimensions = array<i32: 1>} : vector<64x64xi32>
    %lt3A_338 = arith.cmpi slt, %iota3A_336, %iota3A_337 : vector<64x64xi32>
    %convert_element_type3A_339 = arith.extui %lt3A_338 : vector<64x64xi1> to vector<64x64xi32>
    %convert_element_type3A_340 = arith.sitofp %convert_element_type3A_339 : vector<64x64xi32> to vector<64x64xf32>
    %get3A_341 = arith.constant 0 : index
    %get3A_342 = arith.constant 0 : index
    %get3A_343 = vector.load %arg1[%get3A_341, %get3A_342] : memref<2048x12xf32, #tpu.memory_space<vmem>>, vector<2048x12xf32>
    %get3A_344 = arith.constant 0 : index
    %get3A_345 = arith.constant 0 : index
    %get3A_346 = vector.load %arg4[%get3A_344, %get3A_345] : memref<108x16xf32, #tpu.memory_space<vmem>>, vector<108x16xf32>
    %get3A_347 = arith.constant 0 : index
    %get3A_348 = arith.constant 0 : index
    %get3A_349 = vector.load %arg5[%get3A_347, %get3A_348] : memref<12x144xf32, #tpu.memory_space<vmem>>, vector<12x144xf32>
    %get3A_350 = arith.constant 0 : index
    %get3A_351 = arith.constant 0 : index
    %get3A_352 = vector.load %arg6[%get3A_350, %get3A_351] : memref<32x64xf32, #tpu.memory_space<vmem>>, vector<32x64xf32>
    %get3A_353 = arith.constant 0 : index
    %get3A_354 = arith.constant 0 : index
    %get3A_355 = vector.load %arg7[%get3A_353, %get3A_354] : memref<1x16xf32, #tpu.memory_space<vmem>>, vector<1x16xf32>
    %get3A_356 = arith.constant 0 : index
    %get3A_357 = arith.constant 0 : index
    %get3A_358 = vector.load %arg8[%get3A_356, %get3A_357] : memref<1x16xf32, #tpu.memory_space<vmem>>, vector<1x16xf32>
    %get3A_359 = arith.constant 0 : index
    %get3A_360 = arith.constant 0 : index
    %get3A_361 = vector.load %arg9[%get3A_359, %get3A_360] : memref<1x64xf32, #tpu.memory_space<vmem>>, vector<1x64xf32>
    %slice3A = vector.extract_strided_slice %get3A_343 {offsets = [2031, 0], sizes = [17, 12], strides = [1, 1]} : vector<2048x12xf32> to vector<17x12xf32>
    %slice3A_362 = vector.extract_strided_slice %get3A_343 {offsets = [0, 0], sizes = [2031, 12], strides = [1, 1]} : vector<2048x12xf32> to vector<2031x12xf32>
    %concatenate3A = tpu.concatenate %slice3A, %slice3A_362 in 0 : vector<17x12xf32>, vector<2031x12xf32> -> vector<2048x12xf32>
    %mul3A = vector.broadcast %convert_element_type3A_89 : vector<2048x1xf32> to vector<2048x12xf32>
    %mul3A_363 = arith.mulf %concatenate3A, %mul3A : vector<2048x12xf32>
    %slice3A_364 = vector.extract_strided_slice %get3A_343 {offsets = [2032, 0], sizes = [16, 12], strides = [1, 1]} : vector<2048x12xf32> to vector<16x12xf32>
    %slice3A_365 = vector.extract_strided_slice %get3A_343 {offsets = [0, 0], sizes = [2032, 12], strides = [1, 1]} : vector<2048x12xf32> to vector<2032x12xf32>
    %concatenate3A_366 = tpu.concatenate %slice3A_364, %slice3A_365 in 0 : vector<16x12xf32>, vector<2032x12xf32> -> vector<2048x12xf32>
    %mul3A_367 = vector.broadcast %convert_element_type3A_118 : vector<2048x1xf32> to vector<2048x12xf32>
    %mul3A_368 = arith.mulf %concatenate3A_366, %mul3A_367 : vector<2048x12xf32>
    %slice3A_369 = vector.extract_strided_slice %get3A_343 {offsets = [2033, 0], sizes = [15, 12], strides = [1, 1]} : vector<2048x12xf32> to vector<15x12xf32>
    %slice3A_370 = vector.extract_strided_slice %get3A_343 {offsets = [0, 0], sizes = [2033, 12], strides = [1, 1]} : vector<2048x12xf32> to vector<2033x12xf32>
    %concatenate3A_371 = tpu.concatenate %slice3A_369, %slice3A_370 in 0 : vector<15x12xf32>, vector<2033x12xf32> -> vector<2048x12xf32>
    %mul3A_372 = vector.broadcast %convert_element_type3A_147 : vector<2048x1xf32> to vector<2048x12xf32>
    %mul3A_373 = arith.mulf %concatenate3A_371, %mul3A_372 : vector<2048x12xf32>
    %slice3A_374 = vector.extract_strided_slice %get3A_343 {offsets = [2047, 0], sizes = [1, 12], strides = [1, 1]} : vector<2048x12xf32> to vector<1x12xf32>
    %slice3A_375 = vector.extract_strided_slice %get3A_343 {offsets = [0, 0], sizes = [2047, 12], strides = [1, 1]} : vector<2048x12xf32> to vector<2047x12xf32>
    %concatenate3A_376 = tpu.concatenate %slice3A_374, %slice3A_375 in 0 : vector<1x12xf32>, vector<2047x12xf32> -> vector<2048x12xf32>
    %mul3A_377 = vector.broadcast %convert_element_type3A_176 : vector<2048x1xf32> to vector<2048x12xf32>
    %mul3A_378 = arith.mulf %concatenate3A_376, %mul3A_377 : vector<2048x12xf32>
    %mul3A_379 = vector.broadcast %convert_element_type3A_205 : vector<2048x1xf32> to vector<2048x12xf32>
    %mul3A_380 = arith.mulf %get3A_343, %mul3A_379 : vector<2048x12xf32>
    %slice3A_381 = vector.extract_strided_slice %get3A_343 {offsets = [1, 0], sizes = [2047, 12], strides = [1, 1]} : vector<2048x12xf32> to vector<2047x12xf32>
    %slice3A_382 = vector.extract_strided_slice %get3A_343 {offsets = [0, 0], sizes = [1, 12], strides = [1, 1]} : vector<2048x12xf32> to vector<1x12xf32>
    %concatenate3A_383 = tpu.concatenate %slice3A_381, %slice3A_382 in 0 : vector<2047x12xf32>, vector<1x12xf32> -> vector<2048x12xf32>
    %mul3A_384 = vector.broadcast %convert_element_type3A_234 : vector<2048x1xf32> to vector<2048x12xf32>
    %mul3A_385 = arith.mulf %concatenate3A_383, %mul3A_384 : vector<2048x12xf32>
    %slice3A_386 = vector.extract_strided_slice %get3A_343 {offsets = [15, 0], sizes = [2033, 12], strides = [1, 1]} : vector<2048x12xf32> to vector<2033x12xf32>
    %slice3A_387 = vector.extract_strided_slice %get3A_343 {offsets = [0, 0], sizes = [15, 12], strides = [1, 1]} : vector<2048x12xf32> to vector<15x12xf32>
    %concatenate3A_388 = tpu.concatenate %slice3A_386, %slice3A_387 in 0 : vector<2033x12xf32>, vector<15x12xf32> -> vector<2048x12xf32>
    %mul3A_389 = vector.broadcast %convert_element_type3A_263 : vector<2048x1xf32> to vector<2048x12xf32>
    %mul3A_390 = arith.mulf %concatenate3A_388, %mul3A_389 : vector<2048x12xf32>
    %slice3A_391 = vector.extract_strided_slice %get3A_343 {offsets = [16, 0], sizes = [2032, 12], strides = [1, 1]} : vector<2048x12xf32> to vector<2032x12xf32>
    %slice3A_392 = vector.extract_strided_slice %get3A_343 {offsets = [0, 0], sizes = [16, 12], strides = [1, 1]} : vector<2048x12xf32> to vector<16x12xf32>
    %concatenate3A_393 = tpu.concatenate %slice3A_391, %slice3A_392 in 0 : vector<2032x12xf32>, vector<16x12xf32> -> vector<2048x12xf32>
    %mul3A_394 = vector.broadcast %convert_element_type3A_292 : vector<2048x1xf32> to vector<2048x12xf32>
    %mul3A_395 = arith.mulf %concatenate3A_393, %mul3A_394 : vector<2048x12xf32>
    %slice3A_396 = vector.extract_strided_slice %get3A_343 {offsets = [17, 0], sizes = [2031, 12], strides = [1, 1]} : vector<2048x12xf32> to vector<2031x12xf32>
    %slice3A_397 = vector.extract_strided_slice %get3A_343 {offsets = [0, 0], sizes = [17, 12], strides = [1, 1]} : vector<2048x12xf32> to vector<17x12xf32>
    %concatenate3A_398 = tpu.concatenate %slice3A_396, %slice3A_397 in 0 : vector<2031x12xf32>, vector<17x12xf32> -> vector<2048x12xf32>
    %mul3A_399 = vector.broadcast %convert_element_type3A_321 : vector<2048x1xf32> to vector<2048x12xf32>
    %mul3A_400 = arith.mulf %concatenate3A_398, %mul3A_399 : vector<2048x12xf32>
    %concatenate3A_401 = tpu.concatenate %mul3A_363, %mul3A_368, %mul3A_373, %mul3A_378, %mul3A_380, %mul3A_385, %mul3A_390, %mul3A_395, %mul3A_400 in 1 : vector<2048x12xf32>, vector<2048x12xf32>, vector<2048x12xf32>, vector<2048x12xf32>, vector<2048x12xf32>, vector<2048x12xf32>, vector<2048x12xf32>, vector<2048x12xf32>, vector<2048x12xf32> -> vector<2048x108xf32>
    %dot_general3A = arith.constant dense<0.000000e+00> : vector<2048x16xf32>
    %dot_general3A_402 = tpu.matmul %concatenate3A_401, %get3A_346, %dot_general3A {dimension_numbers = #tpu.dot_dimension_numbers<[1], [0], [0], [1], [0, 0, 1, 1], [], []>, transpose_lhs_hint = false} : vector<2048x108xf32>, vector<108x16xf32>, vector<2048x16xf32> -> vector<2048x16xf32>
    %add3A_403 = vector.broadcast %get3A_355 : vector<1x16xf32> to vector<2048x16xf32>
    %add3A_404 = arith.addf %dot_general3A_402, %add3A_403 : vector<2048x16xf32>
    %slice3A_405 = vector.extract_strided_slice %get3A_343 {offsets = [0, 0], sizes = [256, 12], strides = [1, 1]} : vector<2048x12xf32> to vector<256x12xf32>
    %dot_general3A_406 = arith.constant dense<0.000000e+00> : vector<64x12xf32>
    %dot_general3A_407 = tpu.matmul %convert_element_type3A_328, %slice3A_405, %dot_general3A_406 {dimension_numbers = #tpu.dot_dimension_numbers<[1], [0], [0], [1], [0, 0, 1, 1], [], []>, transpose_lhs_hint = false} : vector<64x256xf32>, vector<256x12xf32>, vector<64x12xf32> -> vector<64x12xf32>
    %dot_general3A_408 = arith.constant dense<0.000000e+00> : vector<256x64xf32>
    %dot_general3A_409 = tpu.matmul %slice3A_405, %dot_general3A_407, %dot_general3A_408 {dimension_numbers = #tpu.dot_dimension_numbers<[1], [1], [0], [0], [0, 0, 1, 0], [], []>, transpose_lhs_hint = false} : vector<256x12xf32>, vector<64x12xf32>, vector<256x64xf32> -> vector<256x64xf32>
    %slice3A_410 = vector.extract_strided_slice %get3A_343 {offsets = [256, 0], sizes = [256, 12], strides = [1, 1]} : vector<2048x12xf32> to vector<256x12xf32>
    %dot_general3A_411 = arith.constant dense<0.000000e+00> : vector<64x12xf32>
    %dot_general3A_412 = tpu.matmul %convert_element_type3A_328, %slice3A_410, %dot_general3A_411 {dimension_numbers = #tpu.dot_dimension_numbers<[1], [0], [0], [1], [0, 0, 1, 1], [], []>, transpose_lhs_hint = false} : vector<64x256xf32>, vector<256x12xf32>, vector<64x12xf32> -> vector<64x12xf32>
    %dot_general3A_413 = arith.constant dense<0.000000e+00> : vector<256x64xf32>
    %dot_general3A_414 = tpu.matmul %slice3A_410, %dot_general3A_412, %dot_general3A_413 {dimension_numbers = #tpu.dot_dimension_numbers<[1], [1], [0], [0], [0, 0, 1, 0], [], []>, transpose_lhs_hint = false} : vector<256x12xf32>, vector<64x12xf32>, vector<256x64xf32> -> vector<256x64xf32>
    %slice3A_415 = vector.extract_strided_slice %get3A_343 {offsets = [512, 0], sizes = [256, 12], strides = [1, 1]} : vector<2048x12xf32> to vector<256x12xf32>
    %dot_general3A_416 = arith.constant dense<0.000000e+00> : vector<64x12xf32>
    %dot_general3A_417 = tpu.matmul %convert_element_type3A_328, %slice3A_415, %dot_general3A_416 {dimension_numbers = #tpu.dot_dimension_numbers<[1], [0], [0], [1], [0, 0, 1, 1], [], []>, transpose_lhs_hint = false} : vector<64x256xf32>, vector<256x12xf32>, vector<64x12xf32> -> vector<64x12xf32>
    %dot_general3A_418 = arith.constant dense<0.000000e+00> : vector<256x64xf32>
    %dot_general3A_419 = tpu.matmul %slice3A_415, %dot_general3A_417, %dot_general3A_418 {dimension_numbers = #tpu.dot_dimension_numbers<[1], [1], [0], [0], [0, 0, 1, 0], [], []>, transpose_lhs_hint = false} : vector<256x12xf32>, vector<64x12xf32>, vector<256x64xf32> -> vector<256x64xf32>
    %slice3A_420 = vector.extract_strided_slice %get3A_343 {offsets = [768, 0], sizes = [256, 12], strides = [1, 1]} : vector<2048x12xf32> to vector<256x12xf32>
    %dot_general3A_421 = arith.constant dense<0.000000e+00> : vector<64x12xf32>
    %dot_general3A_422 = tpu.matmul %convert_element_type3A_328, %slice3A_420, %dot_general3A_421 {dimension_numbers = #tpu.dot_dimension_numbers<[1], [0], [0], [1], [0, 0, 1, 1], [], []>, transpose_lhs_hint = false} : vector<64x256xf32>, vector<256x12xf32>, vector<64x12xf32> -> vector<64x12xf32>
    %dot_general3A_423 = arith.constant dense<0.000000e+00> : vector<256x64xf32>
    %dot_general3A_424 = tpu.matmul %slice3A_420, %dot_general3A_422, %dot_general3A_423 {dimension_numbers = #tpu.dot_dimension_numbers<[1], [1], [0], [0], [0, 0, 1, 0], [], []>, transpose_lhs_hint = false} : vector<256x12xf32>, vector<64x12xf32>, vector<256x64xf32> -> vector<256x64xf32>
    %slice3A_425 = vector.extract_strided_slice %get3A_343 {offsets = [1024, 0], sizes = [256, 12], strides = [1, 1]} : vector<2048x12xf32> to vector<256x12xf32>
    %dot_general3A_426 = arith.constant dense<0.000000e+00> : vector<64x12xf32>
    %dot_general3A_427 = tpu.matmul %convert_element_type3A_328, %slice3A_425, %dot_general3A_426 {dimension_numbers = #tpu.dot_dimension_numbers<[1], [0], [0], [1], [0, 0, 1, 1], [], []>, transpose_lhs_hint = false} : vector<64x256xf32>, vector<256x12xf32>, vector<64x12xf32> -> vector<64x12xf32>
    %dot_general3A_428 = arith.constant dense<0.000000e+00> : vector<256x64xf32>
    %dot_general3A_429 = tpu.matmul %slice3A_425, %dot_general3A_427, %dot_general3A_428 {dimension_numbers = #tpu.dot_dimension_numbers<[1], [1], [0], [0], [0, 0, 1, 0], [], []>, transpose_lhs_hint = false} : vector<256x12xf32>, vector<64x12xf32>, vector<256x64xf32> -> vector<256x64xf32>
    %slice3A_430 = vector.extract_strided_slice %get3A_343 {offsets = [1280, 0], sizes = [256, 12], strides = [1, 1]} : vector<2048x12xf32> to vector<256x12xf32>
    %dot_general3A_431 = arith.constant dense<0.000000e+00> : vector<64x12xf32>
    %dot_general3A_432 = tpu.matmul %convert_element_type3A_328, %slice3A_430, %dot_general3A_431 {dimension_numbers = #tpu.dot_dimension_numbers<[1], [0], [0], [1], [0, 0, 1, 1], [], []>, transpose_lhs_hint = false} : vector<64x256xf32>, vector<256x12xf32>, vector<64x12xf32> -> vector<64x12xf32>
    %dot_general3A_433 = arith.constant dense<0.000000e+00> : vector<256x64xf32>
    %dot_general3A_434 = tpu.matmul %slice3A_430, %dot_general3A_432, %dot_general3A_433 {dimension_numbers = #tpu.dot_dimension_numbers<[1], [1], [0], [0], [0, 0, 1, 0], [], []>, transpose_lhs_hint = false} : vector<256x12xf32>, vector<64x12xf32>, vector<256x64xf32> -> vector<256x64xf32>
    %slice3A_435 = vector.extract_strided_slice %get3A_343 {offsets = [1536, 0], sizes = [256, 12], strides = [1, 1]} : vector<2048x12xf32> to vector<256x12xf32>
    %dot_general3A_436 = arith.constant dense<0.000000e+00> : vector<64x12xf32>
    %dot_general3A_437 = tpu.matmul %convert_element_type3A_328, %slice3A_435, %dot_general3A_436 {dimension_numbers = #tpu.dot_dimension_numbers<[1], [0], [0], [1], [0, 0, 1, 1], [], []>, transpose_lhs_hint = false} : vector<64x256xf32>, vector<256x12xf32>, vector<64x12xf32> -> vector<64x12xf32>
    %dot_general3A_438 = arith.constant dense<0.000000e+00> : vector<256x64xf32>
    %dot_general3A_439 = tpu.matmul %slice3A_435, %dot_general3A_437, %dot_general3A_438 {dimension_numbers = #tpu.dot_dimension_numbers<[1], [1], [0], [0], [0, 0, 1, 0], [], []>, transpose_lhs_hint = false} : vector<256x12xf32>, vector<64x12xf32>, vector<256x64xf32> -> vector<256x64xf32>
    %slice3A_440 = vector.extract_strided_slice %get3A_343 {offsets = [1792, 0], sizes = [256, 12], strides = [1, 1]} : vector<2048x12xf32> to vector<256x12xf32>
    %dot_general3A_441 = arith.constant dense<0.000000e+00> : vector<64x12xf32>
    %dot_general3A_442 = tpu.matmul %convert_element_type3A_328, %slice3A_440, %dot_general3A_441 {dimension_numbers = #tpu.dot_dimension_numbers<[1], [0], [0], [1], [0, 0, 1, 1], [], []>, transpose_lhs_hint = false} : vector<64x256xf32>, vector<256x12xf32>, vector<64x12xf32> -> vector<64x12xf32>
    %dot_general3A_443 = arith.constant dense<0.000000e+00> : vector<256x64xf32>
    %dot_general3A_444 = tpu.matmul %slice3A_440, %dot_general3A_442, %dot_general3A_443 {dimension_numbers = #tpu.dot_dimension_numbers<[1], [1], [0], [0], [0, 0, 1, 0], [], []>, transpose_lhs_hint = false} : vector<256x12xf32>, vector<64x12xf32>, vector<256x64xf32> -> vector<256x64xf32>
    %concatenate3A_445 = tpu.concatenate %dot_general3A_407, %dot_general3A_412, %dot_general3A_417, %dot_general3A_422, %dot_general3A_427, %dot_general3A_432, %dot_general3A_437, %dot_general3A_442 in 0 : vector<64x12xf32>, vector<64x12xf32>, vector<64x12xf32>, vector<64x12xf32>, vector<64x12xf32>, vector<64x12xf32>, vector<64x12xf32>, vector<64x12xf32> -> vector<512x12xf32>
    %concatenate3A_446 = tpu.concatenate %dot_general3A_409, %dot_general3A_414, %dot_general3A_419, %dot_general3A_424, %dot_general3A_429, %dot_general3A_434, %dot_general3A_439, %dot_general3A_444 in 0 : vector<256x64xf32>, vector<256x64xf32>, vector<256x64xf32>, vector<256x64xf32>, vector<256x64xf32>, vector<256x64xf32>, vector<256x64xf32>, vector<256x64xf32> -> vector<2048x64xf32>
    %reduce_max3A = arith.constant dense<0xFF800000> : vector<2048xf32>
    %reduce_max3A_447 = vector.multi_reduction <maximumf>, %concatenate3A_446, %reduce_max3A [1] : vector<2048x64xf32> to vector<2048xf32>
    %broadcast_in_dim3A = vector.shape_cast %reduce_max3A_447 : vector<2048xf32> to vector<2048x1xf32>
    %eq3A_448 = vector.broadcast %broadcast_in_dim3A : vector<2048x1xf32> to vector<2048x64xf32>
    %eq3A_449 = arith.cmpf oeq, %concatenate3A_446, %eq3A_448 : vector<2048x64xf32>
    %convert_element_type3A_450 = arith.extui %eq3A_449 : vector<2048x64xi1> to vector<2048x64xi32>
    %convert_element_type3A_451 = arith.sitofp %convert_element_type3A_450 : vector<2048x64xi32> to vector<2048x64xf32>
    %dot_general3A_452 = arith.constant dense<0.000000e+00> : vector<2048x64xf32>
    %dot_general3A_453 = tpu.matmul %convert_element_type3A_451, %convert_element_type3A_340, %dot_general3A_452 {dimension_numbers = #tpu.dot_dimension_numbers<[1], [0], [0], [1], [0, 0, 1, 1], [], []>, transpose_lhs_hint = false} : vector<2048x64xf32>, vector<64x64xf32>, vector<2048x64xf32> -> vector<2048x64xf32>
    %lt3A_454 = arith.constant 5.000000e-01 : f32
    %lt3A_455 = vector.broadcast %lt3A_454 : f32 to vector<2048x64xf32>
    %lt3A_456 = arith.cmpf olt, %dot_general3A_453, %lt3A_455 : vector<2048x64xf32>
    %and3A_457 = arith.andi %eq3A_449, %lt3A_456 : vector<2048x64xi1>
    %convert_element_type3A_458 = arith.extui %and3A_457 : vector<2048x64xi1> to vector<2048x64xi32>
    %convert_element_type3A_459 = arith.sitofp %convert_element_type3A_458 : vector<2048x64xi32> to vector<2048x64xf32>
    %jit3A_460 = arith.constant 0xFF800000 : f32
    %broadcast_in_dim3A_461 = vector.broadcast %jit3A_460 : f32 to vector<2048x64xf32>
    %select_n3A_462 = arith.select %and3A_457, %broadcast_in_dim3A_461, %concatenate3A_446 : vector<2048x64xi1>, vector<2048x64xf32>
    %reduce_max3A_463 = arith.constant dense<0xFF800000> : vector<2048xf32>
    %reduce_max3A_464 = vector.multi_reduction <maximumf>, %select_n3A_462, %reduce_max3A_463 [1] : vector<2048x64xf32> to vector<2048xf32>
    %broadcast_in_dim3A_465 = vector.shape_cast %reduce_max3A_464 : vector<2048xf32> to vector<2048x1xf32>
    %eq3A_466 = vector.broadcast %broadcast_in_dim3A_465 : vector<2048x1xf32> to vector<2048x64xf32>
    %eq3A_467 = arith.cmpf oeq, %select_n3A_462, %eq3A_466 : vector<2048x64xf32>
    %convert_element_type3A_468 = arith.extui %eq3A_467 : vector<2048x64xi1> to vector<2048x64xi32>
    %convert_element_type3A_469 = arith.sitofp %convert_element_type3A_468 : vector<2048x64xi32> to vector<2048x64xf32>
    %dot_general3A_470 = arith.constant dense<0.000000e+00> : vector<2048x64xf32>
    %dot_general3A_471 = tpu.matmul %convert_element_type3A_469, %convert_element_type3A_340, %dot_general3A_470 {dimension_numbers = #tpu.dot_dimension_numbers<[1], [0], [0], [1], [0, 0, 1, 1], [], []>, transpose_lhs_hint = false} : vector<2048x64xf32>, vector<64x64xf32>, vector<2048x64xf32> -> vector<2048x64xf32>
    %lt3A_472 = arith.constant 5.000000e-01 : f32
    %lt3A_473 = vector.broadcast %lt3A_472 : f32 to vector<2048x64xf32>
    %lt3A_474 = arith.cmpf olt, %dot_general3A_471, %lt3A_473 : vector<2048x64xf32>
    %and3A_475 = arith.andi %eq3A_467, %lt3A_474 : vector<2048x64xi1>
    %convert_element_type3A_476 = arith.extui %and3A_475 : vector<2048x64xi1> to vector<2048x64xi32>
    %convert_element_type3A_477 = arith.sitofp %convert_element_type3A_476 : vector<2048x64xi32> to vector<2048x64xf32>
    %jit3A_478 = arith.constant 0xFF800000 : f32
    %broadcast_in_dim3A_479 = vector.broadcast %jit3A_478 : f32 to vector<2048x64xf32>
    %select_n3A_480 = arith.select %and3A_475, %broadcast_in_dim3A_479, %select_n3A_462 : vector<2048x64xi1>, vector<2048x64xf32>
    %reduce_max3A_481 = arith.constant dense<0xFF800000> : vector<2048xf32>
    %reduce_max3A_482 = vector.multi_reduction <maximumf>, %select_n3A_480, %reduce_max3A_481 [1] : vector<2048x64xf32> to vector<2048xf32>
    %broadcast_in_dim3A_483 = vector.shape_cast %reduce_max3A_482 : vector<2048xf32> to vector<2048x1xf32>
    %eq3A_484 = vector.broadcast %broadcast_in_dim3A_483 : vector<2048x1xf32> to vector<2048x64xf32>
    %eq3A_485 = arith.cmpf oeq, %select_n3A_480, %eq3A_484 : vector<2048x64xf32>
    %convert_element_type3A_486 = arith.extui %eq3A_485 : vector<2048x64xi1> to vector<2048x64xi32>
    %convert_element_type3A_487 = arith.sitofp %convert_element_type3A_486 : vector<2048x64xi32> to vector<2048x64xf32>
    %dot_general3A_488 = arith.constant dense<0.000000e+00> : vector<2048x64xf32>
    %dot_general3A_489 = tpu.matmul %convert_element_type3A_487, %convert_element_type3A_340, %dot_general3A_488 {dimension_numbers = #tpu.dot_dimension_numbers<[1], [0], [0], [1], [0, 0, 1, 1], [], []>, transpose_lhs_hint = false} : vector<2048x64xf32>, vector<64x64xf32>, vector<2048x64xf32> -> vector<2048x64xf32>
    %lt3A_490 = arith.constant 5.000000e-01 : f32
    %lt3A_491 = vector.broadcast %lt3A_490 : f32 to vector<2048x64xf32>
    %lt3A_492 = arith.cmpf olt, %dot_general3A_489, %lt3A_491 : vector<2048x64xf32>
    %and3A_493 = arith.andi %eq3A_485, %lt3A_492 : vector<2048x64xi1>
    %convert_element_type3A_494 = arith.extui %and3A_493 : vector<2048x64xi1> to vector<2048x64xi32>
    %convert_element_type3A_495 = arith.sitofp %convert_element_type3A_494 : vector<2048x64xi32> to vector<2048x64xf32>
    %jit3A_496 = arith.constant 0xFF800000 : f32
    %broadcast_in_dim3A_497 = vector.broadcast %jit3A_496 : f32 to vector<2048x64xf32>
    %select_n3A_498 = arith.select %and3A_493, %broadcast_in_dim3A_497, %select_n3A_480 : vector<2048x64xi1>, vector<2048x64xf32>
    %reduce_max3A_499 = arith.constant dense<0xFF800000> : vector<2048xf32>
    %reduce_max3A_500 = vector.multi_reduction <maximumf>, %select_n3A_498, %reduce_max3A_499 [1] : vector<2048x64xf32> to vector<2048xf32>
    %broadcast_in_dim3A_501 = vector.shape_cast %reduce_max3A_500 : vector<2048xf32> to vector<2048x1xf32>
    %eq3A_502 = vector.broadcast %broadcast_in_dim3A_501 : vector<2048x1xf32> to vector<2048x64xf32>
    %eq3A_503 = arith.cmpf oeq, %select_n3A_498, %eq3A_502 : vector<2048x64xf32>
    %convert_element_type3A_504 = arith.extui %eq3A_503 : vector<2048x64xi1> to vector<2048x64xi32>
    %convert_element_type3A_505 = arith.sitofp %convert_element_type3A_504 : vector<2048x64xi32> to vector<2048x64xf32>
    %dot_general3A_506 = arith.constant dense<0.000000e+00> : vector<2048x64xf32>
    %dot_general3A_507 = tpu.matmul %convert_element_type3A_505, %convert_element_type3A_340, %dot_general3A_506 {dimension_numbers = #tpu.dot_dimension_numbers<[1], [0], [0], [1], [0, 0, 1, 1], [], []>, transpose_lhs_hint = false} : vector<2048x64xf32>, vector<64x64xf32>, vector<2048x64xf32> -> vector<2048x64xf32>
    %lt3A_508 = arith.constant 5.000000e-01 : f32
    %lt3A_509 = vector.broadcast %lt3A_508 : f32 to vector<2048x64xf32>
    %lt3A_510 = arith.cmpf olt, %dot_general3A_507, %lt3A_509 : vector<2048x64xf32>
    %and3A_511 = arith.andi %eq3A_503, %lt3A_510 : vector<2048x64xi1>
    %convert_element_type3A_512 = arith.extui %and3A_511 : vector<2048x64xi1> to vector<2048x64xi32>
    %convert_element_type3A_513 = arith.sitofp %convert_element_type3A_512 : vector<2048x64xi32> to vector<2048x64xf32>
    %jit3A_514 = arith.constant 0xFF800000 : f32
    %broadcast_in_dim3A_515 = vector.broadcast %jit3A_514 : f32 to vector<2048x64xf32>
    %select_n3A_516 = arith.select %and3A_511, %broadcast_in_dim3A_515, %select_n3A_498 : vector<2048x64xi1>, vector<2048x64xf32>
    %reduce_max3A_517 = arith.constant dense<0xFF800000> : vector<2048xf32>
    %reduce_max3A_518 = vector.multi_reduction <maximumf>, %select_n3A_516, %reduce_max3A_517 [1] : vector<2048x64xf32> to vector<2048xf32>
    %broadcast_in_dim3A_519 = vector.shape_cast %reduce_max3A_518 : vector<2048xf32> to vector<2048x1xf32>
    %eq3A_520 = vector.broadcast %broadcast_in_dim3A_519 : vector<2048x1xf32> to vector<2048x64xf32>
    %eq3A_521 = arith.cmpf oeq, %select_n3A_516, %eq3A_520 : vector<2048x64xf32>
    %convert_element_type3A_522 = arith.extui %eq3A_521 : vector<2048x64xi1> to vector<2048x64xi32>
    %convert_element_type3A_523 = arith.sitofp %convert_element_type3A_522 : vector<2048x64xi32> to vector<2048x64xf32>
    %dot_general3A_524 = arith.constant dense<0.000000e+00> : vector<2048x64xf32>
    %dot_general3A_525 = tpu.matmul %convert_element_type3A_523, %convert_element_type3A_340, %dot_general3A_524 {dimension_numbers = #tpu.dot_dimension_numbers<[1], [0], [0], [1], [0, 0, 1, 1], [], []>, transpose_lhs_hint = false} : vector<2048x64xf32>, vector<64x64xf32>, vector<2048x64xf32> -> vector<2048x64xf32>
    %lt3A_526 = arith.constant 5.000000e-01 : f32
    %lt3A_527 = vector.broadcast %lt3A_526 : f32 to vector<2048x64xf32>
    %lt3A_528 = arith.cmpf olt, %dot_general3A_525, %lt3A_527 : vector<2048x64xf32>
    %and3A_529 = arith.andi %eq3A_521, %lt3A_528 : vector<2048x64xi1>
    %convert_element_type3A_530 = arith.extui %and3A_529 : vector<2048x64xi1> to vector<2048x64xi32>
    %convert_element_type3A_531 = arith.sitofp %convert_element_type3A_530 : vector<2048x64xi32> to vector<2048x64xf32>
    %jit3A_532 = arith.constant 0xFF800000 : f32
    %broadcast_in_dim3A_533 = vector.broadcast %jit3A_532 : f32 to vector<2048x64xf32>
    %select_n3A_534 = arith.select %and3A_529, %broadcast_in_dim3A_533, %select_n3A_516 : vector<2048x64xi1>, vector<2048x64xf32>
    %reduce_max3A_535 = arith.constant dense<0xFF800000> : vector<2048xf32>
    %reduce_max3A_536 = vector.multi_reduction <maximumf>, %select_n3A_534, %reduce_max3A_535 [1] : vector<2048x64xf32> to vector<2048xf32>
    %broadcast_in_dim3A_537 = vector.shape_cast %reduce_max3A_536 : vector<2048xf32> to vector<2048x1xf32>
    %eq3A_538 = vector.broadcast %broadcast_in_dim3A_537 : vector<2048x1xf32> to vector<2048x64xf32>
    %eq3A_539 = arith.cmpf oeq, %select_n3A_534, %eq3A_538 : vector<2048x64xf32>
    %convert_element_type3A_540 = arith.extui %eq3A_539 : vector<2048x64xi1> to vector<2048x64xi32>
    %convert_element_type3A_541 = arith.sitofp %convert_element_type3A_540 : vector<2048x64xi32> to vector<2048x64xf32>
    %dot_general3A_542 = arith.constant dense<0.000000e+00> : vector<2048x64xf32>
    %dot_general3A_543 = tpu.matmul %convert_element_type3A_541, %convert_element_type3A_340, %dot_general3A_542 {dimension_numbers = #tpu.dot_dimension_numbers<[1], [0], [0], [1], [0, 0, 1, 1], [], []>, transpose_lhs_hint = false} : vector<2048x64xf32>, vector<64x64xf32>, vector<2048x64xf32> -> vector<2048x64xf32>
    %lt3A_544 = arith.constant 5.000000e-01 : f32
    %lt3A_545 = vector.broadcast %lt3A_544 : f32 to vector<2048x64xf32>
    %lt3A_546 = arith.cmpf olt, %dot_general3A_543, %lt3A_545 : vector<2048x64xf32>
    %and3A_547 = arith.andi %eq3A_539, %lt3A_546 : vector<2048x64xi1>
    %convert_element_type3A_548 = arith.extui %and3A_547 : vector<2048x64xi1> to vector<2048x64xi32>
    %convert_element_type3A_549 = arith.sitofp %convert_element_type3A_548 : vector<2048x64xi32> to vector<2048x64xf32>
    %jit3A_550 = arith.constant 0xFF800000 : f32
    %broadcast_in_dim3A_551 = vector.broadcast %jit3A_550 : f32 to vector<2048x64xf32>
    %select_n3A_552 = arith.select %and3A_547, %broadcast_in_dim3A_551, %select_n3A_534 : vector<2048x64xi1>, vector<2048x64xf32>
    %reduce_max3A_553 = arith.constant dense<0xFF800000> : vector<2048xf32>
    %reduce_max3A_554 = vector.multi_reduction <maximumf>, %select_n3A_552, %reduce_max3A_553 [1] : vector<2048x64xf32> to vector<2048xf32>
    %broadcast_in_dim3A_555 = vector.shape_cast %reduce_max3A_554 : vector<2048xf32> to vector<2048x1xf32>
    %eq3A_556 = vector.broadcast %broadcast_in_dim3A_555 : vector<2048x1xf32> to vector<2048x64xf32>
    %eq3A_557 = arith.cmpf oeq, %select_n3A_552, %eq3A_556 : vector<2048x64xf32>
    %convert_element_type3A_558 = arith.extui %eq3A_557 : vector<2048x64xi1> to vector<2048x64xi32>
    %convert_element_type3A_559 = arith.sitofp %convert_element_type3A_558 : vector<2048x64xi32> to vector<2048x64xf32>
    %dot_general3A_560 = arith.constant dense<0.000000e+00> : vector<2048x64xf32>
    %dot_general3A_561 = tpu.matmul %convert_element_type3A_559, %convert_element_type3A_340, %dot_general3A_560 {dimension_numbers = #tpu.dot_dimension_numbers<[1], [0], [0], [1], [0, 0, 1, 1], [], []>, transpose_lhs_hint = false} : vector<2048x64xf32>, vector<64x64xf32>, vector<2048x64xf32> -> vector<2048x64xf32>
    %lt3A_562 = arith.constant 5.000000e-01 : f32
    %lt3A_563 = vector.broadcast %lt3A_562 : f32 to vector<2048x64xf32>
    %lt3A_564 = arith.cmpf olt, %dot_general3A_561, %lt3A_563 : vector<2048x64xf32>
    %and3A_565 = arith.andi %eq3A_557, %lt3A_564 : vector<2048x64xi1>
    %convert_element_type3A_566 = arith.extui %and3A_565 : vector<2048x64xi1> to vector<2048x64xi32>
    %convert_element_type3A_567 = arith.sitofp %convert_element_type3A_566 : vector<2048x64xi32> to vector<2048x64xf32>
    %jit3A_568 = arith.constant 0xFF800000 : f32
    %broadcast_in_dim3A_569 = vector.broadcast %jit3A_568 : f32 to vector<2048x64xf32>
    %select_n3A_570 = arith.select %and3A_565, %broadcast_in_dim3A_569, %select_n3A_552 : vector<2048x64xi1>, vector<2048x64xf32>
    %reduce_max3A_571 = arith.constant dense<0xFF800000> : vector<2048xf32>
    %reduce_max3A_572 = vector.multi_reduction <maximumf>, %select_n3A_570, %reduce_max3A_571 [1] : vector<2048x64xf32> to vector<2048xf32>
    %broadcast_in_dim3A_573 = vector.shape_cast %reduce_max3A_572 : vector<2048xf32> to vector<2048x1xf32>
    %eq3A_574 = vector.broadcast %broadcast_in_dim3A_573 : vector<2048x1xf32> to vector<2048x64xf32>
    %eq3A_575 = arith.cmpf oeq, %select_n3A_570, %eq3A_574 : vector<2048x64xf32>
    %convert_element_type3A_576 = arith.extui %eq3A_575 : vector<2048x64xi1> to vector<2048x64xi32>
    %convert_element_type3A_577 = arith.sitofp %convert_element_type3A_576 : vector<2048x64xi32> to vector<2048x64xf32>
    %dot_general3A_578 = arith.constant dense<0.000000e+00> : vector<2048x64xf32>
    %dot_general3A_579 = tpu.matmul %convert_element_type3A_577, %convert_element_type3A_340, %dot_general3A_578 {dimension_numbers = #tpu.dot_dimension_numbers<[1], [0], [0], [1], [0, 0, 1, 1], [], []>, transpose_lhs_hint = false} : vector<2048x64xf32>, vector<64x64xf32>, vector<2048x64xf32> -> vector<2048x64xf32>
    %lt3A_580 = arith.constant 5.000000e-01 : f32
    %lt3A_581 = vector.broadcast %lt3A_580 : f32 to vector<2048x64xf32>
    %lt3A_582 = arith.cmpf olt, %dot_general3A_579, %lt3A_581 : vector<2048x64xf32>
    %and3A_583 = arith.andi %eq3A_575, %lt3A_582 : vector<2048x64xi1>
    %convert_element_type3A_584 = arith.extui %and3A_583 : vector<2048x64xi1> to vector<2048x64xi32>
    %convert_element_type3A_585 = arith.sitofp %convert_element_type3A_584 : vector<2048x64xi32> to vector<2048x64xf32>
    %jit3A_586 = arith.constant 0xFF800000 : f32
    %broadcast_in_dim3A_587 = vector.broadcast %jit3A_586 : f32 to vector<2048x64xf32>
    %select_n3A_588 = arith.select %and3A_583, %broadcast_in_dim3A_587, %select_n3A_570 : vector<2048x64xi1>, vector<2048x64xf32>
    %reduce_max3A_589 = arith.constant dense<0xFF800000> : vector<2048xf32>
    %reduce_max3A_590 = vector.multi_reduction <maximumf>, %select_n3A_588, %reduce_max3A_589 [1] : vector<2048x64xf32> to vector<2048xf32>
    %broadcast_in_dim3A_591 = vector.shape_cast %reduce_max3A_590 : vector<2048xf32> to vector<2048x1xf32>
    %eq3A_592 = vector.broadcast %broadcast_in_dim3A_591 : vector<2048x1xf32> to vector<2048x64xf32>
    %eq3A_593 = arith.cmpf oeq, %select_n3A_588, %eq3A_592 : vector<2048x64xf32>
    %convert_element_type3A_594 = arith.extui %eq3A_593 : vector<2048x64xi1> to vector<2048x64xi32>
    %convert_element_type3A_595 = arith.sitofp %convert_element_type3A_594 : vector<2048x64xi32> to vector<2048x64xf32>
    %dot_general3A_596 = arith.constant dense<0.000000e+00> : vector<2048x64xf32>
    %dot_general3A_597 = tpu.matmul %convert_element_type3A_595, %convert_element_type3A_340, %dot_general3A_596 {dimension_numbers = #tpu.dot_dimension_numbers<[1], [0], [0], [1], [0, 0, 1, 1], [], []>, transpose_lhs_hint = false} : vector<2048x64xf32>, vector<64x64xf32>, vector<2048x64xf32> -> vector<2048x64xf32>
    %lt3A_598 = arith.constant 5.000000e-01 : f32
    %lt3A_599 = vector.broadcast %lt3A_598 : f32 to vector<2048x64xf32>
    %lt3A_600 = arith.cmpf olt, %dot_general3A_597, %lt3A_599 : vector<2048x64xf32>
    %and3A_601 = arith.andi %eq3A_593, %lt3A_600 : vector<2048x64xi1>
    %convert_element_type3A_602 = arith.extui %and3A_601 : vector<2048x64xi1> to vector<2048x64xi32>
    %convert_element_type3A_603 = arith.sitofp %convert_element_type3A_602 : vector<2048x64xi32> to vector<2048x64xf32>
    %dot_general3A_604 = arith.constant dense<0.000000e+00> : vector<512x144xf32>
    %dot_general3A_605 = tpu.matmul %concatenate3A_445, %get3A_349, %dot_general3A_604 {dimension_numbers = #tpu.dot_dimension_numbers<[1], [0], [0], [1], [0, 0, 1, 1], [], []>, transpose_lhs_hint = false} : vector<512x12xf32>, vector<12x144xf32>, vector<512x144xf32> -> vector<512x144xf32>
    %slice3A_606 = vector.extract_strided_slice %convert_element_type3A_459 {offsets = [0, 0], sizes = [256, 64], strides = [1, 1]} : vector<2048x64xf32> to vector<256x64xf32>
    %slice3A_607 = vector.extract_strided_slice %convert_element_type3A_477 {offsets = [0, 0], sizes = [256, 64], strides = [1, 1]} : vector<2048x64xf32> to vector<256x64xf32>
    %slice3A_608 = vector.extract_strided_slice %convert_element_type3A_495 {offsets = [0, 0], sizes = [256, 64], strides = [1, 1]} : vector<2048x64xf32> to vector<256x64xf32>
    %slice3A_609 = vector.extract_strided_slice %convert_element_type3A_513 {offsets = [0, 0], sizes = [256, 64], strides = [1, 1]} : vector<2048x64xf32> to vector<256x64xf32>
    %slice3A_610 = vector.extract_strided_slice %convert_element_type3A_531 {offsets = [0, 0], sizes = [256, 64], strides = [1, 1]} : vector<2048x64xf32> to vector<256x64xf32>
    %slice3A_611 = vector.extract_strided_slice %convert_element_type3A_549 {offsets = [0, 0], sizes = [256, 64], strides = [1, 1]} : vector<2048x64xf32> to vector<256x64xf32>
    %slice3A_612 = vector.extract_strided_slice %convert_element_type3A_567 {offsets = [0, 0], sizes = [256, 64], strides = [1, 1]} : vector<2048x64xf32> to vector<256x64xf32>
    %slice3A_613 = vector.extract_strided_slice %convert_element_type3A_585 {offsets = [0, 0], sizes = [256, 64], strides = [1, 1]} : vector<2048x64xf32> to vector<256x64xf32>
    %slice3A_614 = vector.extract_strided_slice %convert_element_type3A_603 {offsets = [0, 0], sizes = [256, 64], strides = [1, 1]} : vector<2048x64xf32> to vector<256x64xf32>
    %concatenate3A_615 = tpu.concatenate %slice3A_606, %slice3A_607, %slice3A_608, %slice3A_609, %slice3A_610, %slice3A_611, %slice3A_612, %slice3A_613, %slice3A_614 in 1 : vector<256x64xf32>, vector<256x64xf32>, vector<256x64xf32>, vector<256x64xf32>, vector<256x64xf32>, vector<256x64xf32>, vector<256x64xf32>, vector<256x64xf32>, vector<256x64xf32> -> vector<256x576xf32>
    %slice3A_616 = vector.extract_strided_slice %dot_general3A_605 {offsets = [0, 0], sizes = [64, 16], strides = [1, 1]} : vector<512x144xf32> to vector<64x16xf32>
    %slice3A_617 = vector.extract_strided_slice %dot_general3A_605 {offsets = [0, 16], sizes = [64, 16], strides = [1, 1]} : vector<512x144xf32> to vector<64x16xf32>
    %slice3A_618 = vector.extract_strided_slice %dot_general3A_605 {offsets = [0, 32], sizes = [64, 16], strides = [1, 1]} : vector<512x144xf32> to vector<64x16xf32>
    %slice3A_619 = vector.extract_strided_slice %dot_general3A_605 {offsets = [0, 48], sizes = [64, 16], strides = [1, 1]} : vector<512x144xf32> to vector<64x16xf32>
    %slice3A_620 = vector.extract_strided_slice %dot_general3A_605 {offsets = [0, 64], sizes = [64, 16], strides = [1, 1]} : vector<512x144xf32> to vector<64x16xf32>
    %slice3A_621 = vector.extract_strided_slice %dot_general3A_605 {offsets = [0, 80], sizes = [64, 16], strides = [1, 1]} : vector<512x144xf32> to vector<64x16xf32>
    %slice3A_622 = vector.extract_strided_slice %dot_general3A_605 {offsets = [0, 96], sizes = [64, 16], strides = [1, 1]} : vector<512x144xf32> to vector<64x16xf32>
    %slice3A_623 = vector.extract_strided_slice %dot_general3A_605 {offsets = [0, 112], sizes = [64, 16], strides = [1, 1]} : vector<512x144xf32> to vector<64x16xf32>
    %slice3A_624 = vector.extract_strided_slice %dot_general3A_605 {offsets = [0, 128], sizes = [64, 16], strides = [1, 1]} : vector<512x144xf32> to vector<64x16xf32>
    %concatenate3A_625 = tpu.concatenate %slice3A_616, %slice3A_617, %slice3A_618, %slice3A_619, %slice3A_620, %slice3A_621, %slice3A_622, %slice3A_623, %slice3A_624 in 0 : vector<64x16xf32>, vector<64x16xf32>, vector<64x16xf32>, vector<64x16xf32>, vector<64x16xf32>, vector<64x16xf32>, vector<64x16xf32>, vector<64x16xf32>, vector<64x16xf32> -> vector<576x16xf32>
    %dot_general3A_626 = arith.constant dense<0.000000e+00> : vector<256x16xf32>
    %dot_general3A_627 = tpu.matmul %concatenate3A_615, %concatenate3A_625, %dot_general3A_626 {dimension_numbers = #tpu.dot_dimension_numbers<[1], [0], [0], [1], [0, 0, 1, 1], [], []>, precision = #tpu.contract_precision<fp32>, transpose_lhs_hint = false} : vector<256x576xf32>, vector<576x16xf32>, vector<256x16xf32> -> vector<256x16xf32>
    %slice3A_628 = vector.extract_strided_slice %convert_element_type3A_459 {offsets = [256, 0], sizes = [256, 64], strides = [1, 1]} : vector<2048x64xf32> to vector<256x64xf32>
    %slice3A_629 = vector.extract_strided_slice %convert_element_type3A_477 {offsets = [256, 0], sizes = [256, 64], strides = [1, 1]} : vector<2048x64xf32> to vector<256x64xf32>
    %slice3A_630 = vector.extract_strided_slice %convert_element_type3A_495 {offsets = [256, 0], sizes = [256, 64], strides = [1, 1]} : vector<2048x64xf32> to vector<256x64xf32>
    %slice3A_631 = vector.extract_strided_slice %convert_element_type3A_513 {offsets = [256, 0], sizes = [256, 64], strides = [1, 1]} : vector<2048x64xf32> to vector<256x64xf32>
    %slice3A_632 = vector.extract_strided_slice %convert_element_type3A_531 {offsets = [256, 0], sizes = [256, 64], strides = [1, 1]} : vector<2048x64xf32> to vector<256x64xf32>
    %slice3A_633 = vector.extract_strided_slice %convert_element_type3A_549 {offsets = [256, 0], sizes = [256, 64], strides = [1, 1]} : vector<2048x64xf32> to vector<256x64xf32>
    %slice3A_634 = vector.extract_strided_slice %convert_element_type3A_567 {offsets = [256, 0], sizes = [256, 64], strides = [1, 1]} : vector<2048x64xf32> to vector<256x64xf32>
    %slice3A_635 = vector.extract_strided_slice %convert_element_type3A_585 {offsets = [256, 0], sizes = [256, 64], strides = [1, 1]} : vector<2048x64xf32> to vector<256x64xf32>
    %slice3A_636 = vector.extract_strided_slice %convert_element_type3A_603 {offsets = [256, 0], sizes = [256, 64], strides = [1, 1]} : vector<2048x64xf32> to vector<256x64xf32>
    %concatenate3A_637 = tpu.concatenate %slice3A_628, %slice3A_629, %slice3A_630, %slice3A_631, %slice3A_632, %slice3A_633, %slice3A_634, %slice3A_635, %slice3A_636 in 1 : vector<256x64xf32>, vector<256x64xf32>, vector<256x64xf32>, vector<256x64xf32>, vector<256x64xf32>, vector<256x64xf32>, vector<256x64xf32>, vector<256x64xf32>, vector<256x64xf32> -> vector<256x576xf32>
    %slice3A_638 = vector.extract_strided_slice %dot_general3A_605 {offsets = [64, 0], sizes = [64, 16], strides = [1, 1]} : vector<512x144xf32> to vector<64x16xf32>
    %slice3A_639 = vector.extract_strided_slice %dot_general3A_605 {offsets = [64, 16], sizes = [64, 16], strides = [1, 1]} : vector<512x144xf32> to vector<64x16xf32>
    %slice3A_640 = vector.extract_strided_slice %dot_general3A_605 {offsets = [64, 32], sizes = [64, 16], strides = [1, 1]} : vector<512x144xf32> to vector<64x16xf32>
    %slice3A_641 = vector.extract_strided_slice %dot_general3A_605 {offsets = [64, 48], sizes = [64, 16], strides = [1, 1]} : vector<512x144xf32> to vector<64x16xf32>
    %slice3A_642 = vector.extract_strided_slice %dot_general3A_605 {offsets = [64, 64], sizes = [64, 16], strides = [1, 1]} : vector<512x144xf32> to vector<64x16xf32>
    %slice3A_643 = vector.extract_strided_slice %dot_general3A_605 {offsets = [64, 80], sizes = [64, 16], strides = [1, 1]} : vector<512x144xf32> to vector<64x16xf32>
    %slice3A_644 = vector.extract_strided_slice %dot_general3A_605 {offsets = [64, 96], sizes = [64, 16], strides = [1, 1]} : vector<512x144xf32> to vector<64x16xf32>
    %slice3A_645 = vector.extract_strided_slice %dot_general3A_605 {offsets = [64, 112], sizes = [64, 16], strides = [1, 1]} : vector<512x144xf32> to vector<64x16xf32>
    %slice3A_646 = vector.extract_strided_slice %dot_general3A_605 {offsets = [64, 128], sizes = [64, 16], strides = [1, 1]} : vector<512x144xf32> to vector<64x16xf32>
    %concatenate3A_647 = tpu.concatenate %slice3A_638, %slice3A_639, %slice3A_640, %slice3A_641, %slice3A_642, %slice3A_643, %slice3A_644, %slice3A_645, %slice3A_646 in 0 : vector<64x16xf32>, vector<64x16xf32>, vector<64x16xf32>, vector<64x16xf32>, vector<64x16xf32>, vector<64x16xf32>, vector<64x16xf32>, vector<64x16xf32>, vector<64x16xf32> -> vector<576x16xf32>
    %dot_general3A_648 = arith.constant dense<0.000000e+00> : vector<256x16xf32>
    %dot_general3A_649 = tpu.matmul %concatenate3A_637, %concatenate3A_647, %dot_general3A_648 {dimension_numbers = #tpu.dot_dimension_numbers<[1], [0], [0], [1], [0, 0, 1, 1], [], []>, precision = #tpu.contract_precision<fp32>, transpose_lhs_hint = false} : vector<256x576xf32>, vector<576x16xf32>, vector<256x16xf32> -> vector<256x16xf32>
    %slice3A_650 = vector.extract_strided_slice %convert_element_type3A_459 {offsets = [512, 0], sizes = [256, 64], strides = [1, 1]} : vector<2048x64xf32> to vector<256x64xf32>
    %slice3A_651 = vector.extract_strided_slice %convert_element_type3A_477 {offsets = [512, 0], sizes = [256, 64], strides = [1, 1]} : vector<2048x64xf32> to vector<256x64xf32>
    %slice3A_652 = vector.extract_strided_slice %convert_element_type3A_495 {offsets = [512, 0], sizes = [256, 64], strides = [1, 1]} : vector<2048x64xf32> to vector<256x64xf32>
    %slice3A_653 = vector.extract_strided_slice %convert_element_type3A_513 {offsets = [512, 0], sizes = [256, 64], strides = [1, 1]} : vector<2048x64xf32> to vector<256x64xf32>
    %slice3A_654 = vector.extract_strided_slice %convert_element_type3A_531 {offsets = [512, 0], sizes = [256, 64], strides = [1, 1]} : vector<2048x64xf32> to vector<256x64xf32>
    %slice3A_655 = vector.extract_strided_slice %convert_element_type3A_549 {offsets = [512, 0], sizes = [256, 64], strides = [1, 1]} : vector<2048x64xf32> to vector<256x64xf32>
    %slice3A_656 = vector.extract_strided_slice %convert_element_type3A_567 {offsets = [512, 0], sizes = [256, 64], strides = [1, 1]} : vector<2048x64xf32> to vector<256x64xf32>
    %slice3A_657 = vector.extract_strided_slice %convert_element_type3A_585 {offsets = [512, 0], sizes = [256, 64], strides = [1, 1]} : vector<2048x64xf32> to vector<256x64xf32>
    %slice3A_658 = vector.extract_strided_slice %convert_element_type3A_603 {offsets = [512, 0], sizes = [256, 64], strides = [1, 1]} : vector<2048x64xf32> to vector<256x64xf32>
    %concatenate3A_659 = tpu.concatenate %slice3A_650, %slice3A_651, %slice3A_652, %slice3A_653, %slice3A_654, %slice3A_655, %slice3A_656, %slice3A_657, %slice3A_658 in 1 : vector<256x64xf32>, vector<256x64xf32>, vector<256x64xf32>, vector<256x64xf32>, vector<256x64xf32>, vector<256x64xf32>, vector<256x64xf32>, vector<256x64xf32>, vector<256x64xf32> -> vector<256x576xf32>
    %slice3A_660 = vector.extract_strided_slice %dot_general3A_605 {offsets = [128, 0], sizes = [64, 16], strides = [1, 1]} : vector<512x144xf32> to vector<64x16xf32>
    %slice3A_661 = vector.extract_strided_slice %dot_general3A_605 {offsets = [128, 16], sizes = [64, 16], strides = [1, 1]} : vector<512x144xf32> to vector<64x16xf32>
    %slice3A_662 = vector.extract_strided_slice %dot_general3A_605 {offsets = [128, 32], sizes = [64, 16], strides = [1, 1]} : vector<512x144xf32> to vector<64x16xf32>
    %slice3A_663 = vector.extract_strided_slice %dot_general3A_605 {offsets = [128, 48], sizes = [64, 16], strides = [1, 1]} : vector<512x144xf32> to vector<64x16xf32>
    %slice3A_664 = vector.extract_strided_slice %dot_general3A_605 {offsets = [128, 64], sizes = [64, 16], strides = [1, 1]} : vector<512x144xf32> to vector<64x16xf32>
    %slice3A_665 = vector.extract_strided_slice %dot_general3A_605 {offsets = [128, 80], sizes = [64, 16], strides = [1, 1]} : vector<512x144xf32> to vector<64x16xf32>
    %slice3A_666 = vector.extract_strided_slice %dot_general3A_605 {offsets = [128, 96], sizes = [64, 16], strides = [1, 1]} : vector<512x144xf32> to vector<64x16xf32>
    %slice3A_667 = vector.extract_strided_slice %dot_general3A_605 {offsets = [128, 112], sizes = [64, 16], strides = [1, 1]} : vector<512x144xf32> to vector<64x16xf32>
    %slice3A_668 = vector.extract_strided_slice %dot_general3A_605 {offsets = [128, 128], sizes = [64, 16], strides = [1, 1]} : vector<512x144xf32> to vector<64x16xf32>
    %concatenate3A_669 = tpu.concatenate %slice3A_660, %slice3A_661, %slice3A_662, %slice3A_663, %slice3A_664, %slice3A_665, %slice3A_666, %slice3A_667, %slice3A_668 in 0 : vector<64x16xf32>, vector<64x16xf32>, vector<64x16xf32>, vector<64x16xf32>, vector<64x16xf32>, vector<64x16xf32>, vector<64x16xf32>, vector<64x16xf32>, vector<64x16xf32> -> vector<576x16xf32>
    %dot_general3A_670 = arith.constant dense<0.000000e+00> : vector<256x16xf32>
    %dot_general3A_671 = tpu.matmul %concatenate3A_659, %concatenate3A_669, %dot_general3A_670 {dimension_numbers = #tpu.dot_dimension_numbers<[1], [0], [0], [1], [0, 0, 1, 1], [], []>, precision = #tpu.contract_precision<fp32>, transpose_lhs_hint = false} : vector<256x576xf32>, vector<576x16xf32>, vector<256x16xf32> -> vector<256x16xf32>
    %slice3A_672 = vector.extract_strided_slice %convert_element_type3A_459 {offsets = [768, 0], sizes = [256, 64], strides = [1, 1]} : vector<2048x64xf32> to vector<256x64xf32>
    %slice3A_673 = vector.extract_strided_slice %convert_element_type3A_477 {offsets = [768, 0], sizes = [256, 64], strides = [1, 1]} : vector<2048x64xf32> to vector<256x64xf32>
    %slice3A_674 = vector.extract_strided_slice %convert_element_type3A_495 {offsets = [768, 0], sizes = [256, 64], strides = [1, 1]} : vector<2048x64xf32> to vector<256x64xf32>
    %slice3A_675 = vector.extract_strided_slice %convert_element_type3A_513 {offsets = [768, 0], sizes = [256, 64], strides = [1, 1]} : vector<2048x64xf32> to vector<256x64xf32>
    %slice3A_676 = vector.extract_strided_slice %convert_element_type3A_531 {offsets = [768, 0], sizes = [256, 64], strides = [1, 1]} : vector<2048x64xf32> to vector<256x64xf32>
    %slice3A_677 = vector.extract_strided_slice %convert_element_type3A_549 {offsets = [768, 0], sizes = [256, 64], strides = [1, 1]} : vector<2048x64xf32> to vector<256x64xf32>
    %slice3A_678 = vector.extract_strided_slice %convert_element_type3A_567 {offsets = [768, 0], sizes = [256, 64], strides = [1, 1]} : vector<2048x64xf32> to vector<256x64xf32>
    %slice3A_679 = vector.extract_strided_slice %convert_element_type3A_585 {offsets = [768, 0], sizes = [256, 64], strides = [1, 1]} : vector<2048x64xf32> to vector<256x64xf32>
    %slice3A_680 = vector.extract_strided_slice %convert_element_type3A_603 {offsets = [768, 0], sizes = [256, 64], strides = [1, 1]} : vector<2048x64xf32> to vector<256x64xf32>
    %concatenate3A_681 = tpu.concatenate %slice3A_672, %slice3A_673, %slice3A_674, %slice3A_675, %slice3A_676, %slice3A_677, %slice3A_678, %slice3A_679, %slice3A_680 in 1 : vector<256x64xf32>, vector<256x64xf32>, vector<256x64xf32>, vector<256x64xf32>, vector<256x64xf32>, vector<256x64xf32>, vector<256x64xf32>, vector<256x64xf32>, vector<256x64xf32> -> vector<256x576xf32>
    %slice3A_682 = vector.extract_strided_slice %dot_general3A_605 {offsets = [192, 0], sizes = [64, 16], strides = [1, 1]} : vector<512x144xf32> to vector<64x16xf32>
    %slice3A_683 = vector.extract_strided_slice %dot_general3A_605 {offsets = [192, 16], sizes = [64, 16], strides = [1, 1]} : vector<512x144xf32> to vector<64x16xf32>
    %slice3A_684 = vector.extract_strided_slice %dot_general3A_605 {offsets = [192, 32], sizes = [64, 16], strides = [1, 1]} : vector<512x144xf32> to vector<64x16xf32>
    %slice3A_685 = vector.extract_strided_slice %dot_general3A_605 {offsets = [192, 48], sizes = [64, 16], strides = [1, 1]} : vector<512x144xf32> to vector<64x16xf32>
    %slice3A_686 = vector.extract_strided_slice %dot_general3A_605 {offsets = [192, 64], sizes = [64, 16], strides = [1, 1]} : vector<512x144xf32> to vector<64x16xf32>
    %slice3A_687 = vector.extract_strided_slice %dot_general3A_605 {offsets = [192, 80], sizes = [64, 16], strides = [1, 1]} : vector<512x144xf32> to vector<64x16xf32>
    %slice3A_688 = vector.extract_strided_slice %dot_general3A_605 {offsets = [192, 96], sizes = [64, 16], strides = [1, 1]} : vector<512x144xf32> to vector<64x16xf32>
    %slice3A_689 = vector.extract_strided_slice %dot_general3A_605 {offsets = [192, 112], sizes = [64, 16], strides = [1, 1]} : vector<512x144xf32> to vector<64x16xf32>
    %slice3A_690 = vector.extract_strided_slice %dot_general3A_605 {offsets = [192, 128], sizes = [64, 16], strides = [1, 1]} : vector<512x144xf32> to vector<64x16xf32>
    %concatenate3A_691 = tpu.concatenate %slice3A_682, %slice3A_683, %slice3A_684, %slice3A_685, %slice3A_686, %slice3A_687, %slice3A_688, %slice3A_689, %slice3A_690 in 0 : vector<64x16xf32>, vector<64x16xf32>, vector<64x16xf32>, vector<64x16xf32>, vector<64x16xf32>, vector<64x16xf32>, vector<64x16xf32>, vector<64x16xf32>, vector<64x16xf32> -> vector<576x16xf32>
    %dot_general3A_692 = arith.constant dense<0.000000e+00> : vector<256x16xf32>
    %dot_general3A_693 = tpu.matmul %concatenate3A_681, %concatenate3A_691, %dot_general3A_692 {dimension_numbers = #tpu.dot_dimension_numbers<[1], [0], [0], [1], [0, 0, 1, 1], [], []>, precision = #tpu.contract_precision<fp32>, transpose_lhs_hint = false} : vector<256x576xf32>, vector<576x16xf32>, vector<256x16xf32> -> vector<256x16xf32>
    %slice3A_694 = vector.extract_strided_slice %convert_element_type3A_459 {offsets = [1024, 0], sizes = [256, 64], strides = [1, 1]} : vector<2048x64xf32> to vector<256x64xf32>
    %slice3A_695 = vector.extract_strided_slice %convert_element_type3A_477 {offsets = [1024, 0], sizes = [256, 64], strides = [1, 1]} : vector<2048x64xf32> to vector<256x64xf32>
    %slice3A_696 = vector.extract_strided_slice %convert_element_type3A_495 {offsets = [1024, 0], sizes = [256, 64], strides = [1, 1]} : vector<2048x64xf32> to vector<256x64xf32>
    %slice3A_697 = vector.extract_strided_slice %convert_element_type3A_513 {offsets = [1024, 0], sizes = [256, 64], strides = [1, 1]} : vector<2048x64xf32> to vector<256x64xf32>
    %slice3A_698 = vector.extract_strided_slice %convert_element_type3A_531 {offsets = [1024, 0], sizes = [256, 64], strides = [1, 1]} : vector<2048x64xf32> to vector<256x64xf32>
    %slice3A_699 = vector.extract_strided_slice %convert_element_type3A_549 {offsets = [1024, 0], sizes = [256, 64], strides = [1, 1]} : vector<2048x64xf32> to vector<256x64xf32>
    %slice3A_700 = vector.extract_strided_slice %convert_element_type3A_567 {offsets = [1024, 0], sizes = [256, 64], strides = [1, 1]} : vector<2048x64xf32> to vector<256x64xf32>
    %slice3A_701 = vector.extract_strided_slice %convert_element_type3A_585 {offsets = [1024, 0], sizes = [256, 64], strides = [1, 1]} : vector<2048x64xf32> to vector<256x64xf32>
    %slice3A_702 = vector.extract_strided_slice %convert_element_type3A_603 {offsets = [1024, 0], sizes = [256, 64], strides = [1, 1]} : vector<2048x64xf32> to vector<256x64xf32>
    %concatenate3A_703 = tpu.concatenate %slice3A_694, %slice3A_695, %slice3A_696, %slice3A_697, %slice3A_698, %slice3A_699, %slice3A_700, %slice3A_701, %slice3A_702 in 1 : vector<256x64xf32>, vector<256x64xf32>, vector<256x64xf32>, vector<256x64xf32>, vector<256x64xf32>, vector<256x64xf32>, vector<256x64xf32>, vector<256x64xf32>, vector<256x64xf32> -> vector<256x576xf32>
    %slice3A_704 = vector.extract_strided_slice %dot_general3A_605 {offsets = [256, 0], sizes = [64, 16], strides = [1, 1]} : vector<512x144xf32> to vector<64x16xf32>
    %slice3A_705 = vector.extract_strided_slice %dot_general3A_605 {offsets = [256, 16], sizes = [64, 16], strides = [1, 1]} : vector<512x144xf32> to vector<64x16xf32>
    %slice3A_706 = vector.extract_strided_slice %dot_general3A_605 {offsets = [256, 32], sizes = [64, 16], strides = [1, 1]} : vector<512x144xf32> to vector<64x16xf32>
    %slice3A_707 = vector.extract_strided_slice %dot_general3A_605 {offsets = [256, 48], sizes = [64, 16], strides = [1, 1]} : vector<512x144xf32> to vector<64x16xf32>
    %slice3A_708 = vector.extract_strided_slice %dot_general3A_605 {offsets = [256, 64], sizes = [64, 16], strides = [1, 1]} : vector<512x144xf32> to vector<64x16xf32>
    %slice3A_709 = vector.extract_strided_slice %dot_general3A_605 {offsets = [256, 80], sizes = [64, 16], strides = [1, 1]} : vector<512x144xf32> to vector<64x16xf32>
    %slice3A_710 = vector.extract_strided_slice %dot_general3A_605 {offsets = [256, 96], sizes = [64, 16], strides = [1, 1]} : vector<512x144xf32> to vector<64x16xf32>
    %slice3A_711 = vector.extract_strided_slice %dot_general3A_605 {offsets = [256, 112], sizes = [64, 16], strides = [1, 1]} : vector<512x144xf32> to vector<64x16xf32>
    %slice3A_712 = vector.extract_strided_slice %dot_general3A_605 {offsets = [256, 128], sizes = [64, 16], strides = [1, 1]} : vector<512x144xf32> to vector<64x16xf32>
    %concatenate3A_713 = tpu.concatenate %slice3A_704, %slice3A_705, %slice3A_706, %slice3A_707, %slice3A_708, %slice3A_709, %slice3A_710, %slice3A_711, %slice3A_712 in 0 : vector<64x16xf32>, vector<64x16xf32>, vector<64x16xf32>, vector<64x16xf32>, vector<64x16xf32>, vector<64x16xf32>, vector<64x16xf32>, vector<64x16xf32>, vector<64x16xf32> -> vector<576x16xf32>
    %dot_general3A_714 = arith.constant dense<0.000000e+00> : vector<256x16xf32>
    %dot_general3A_715 = tpu.matmul %concatenate3A_703, %concatenate3A_713, %dot_general3A_714 {dimension_numbers = #tpu.dot_dimension_numbers<[1], [0], [0], [1], [0, 0, 1, 1], [], []>, precision = #tpu.contract_precision<fp32>, transpose_lhs_hint = false} : vector<256x576xf32>, vector<576x16xf32>, vector<256x16xf32> -> vector<256x16xf32>
    %slice3A_716 = vector.extract_strided_slice %convert_element_type3A_459 {offsets = [1280, 0], sizes = [256, 64], strides = [1, 1]} : vector<2048x64xf32> to vector<256x64xf32>
    %slice3A_717 = vector.extract_strided_slice %convert_element_type3A_477 {offsets = [1280, 0], sizes = [256, 64], strides = [1, 1]} : vector<2048x64xf32> to vector<256x64xf32>
    %slice3A_718 = vector.extract_strided_slice %convert_element_type3A_495 {offsets = [1280, 0], sizes = [256, 64], strides = [1, 1]} : vector<2048x64xf32> to vector<256x64xf32>
    %slice3A_719 = vector.extract_strided_slice %convert_element_type3A_513 {offsets = [1280, 0], sizes = [256, 64], strides = [1, 1]} : vector<2048x64xf32> to vector<256x64xf32>
    %slice3A_720 = vector.extract_strided_slice %convert_element_type3A_531 {offsets = [1280, 0], sizes = [256, 64], strides = [1, 1]} : vector<2048x64xf32> to vector<256x64xf32>
    %slice3A_721 = vector.extract_strided_slice %convert_element_type3A_549 {offsets = [1280, 0], sizes = [256, 64], strides = [1, 1]} : vector<2048x64xf32> to vector<256x64xf32>
    %slice3A_722 = vector.extract_strided_slice %convert_element_type3A_567 {offsets = [1280, 0], sizes = [256, 64], strides = [1, 1]} : vector<2048x64xf32> to vector<256x64xf32>
    %slice3A_723 = vector.extract_strided_slice %convert_element_type3A_585 {offsets = [1280, 0], sizes = [256, 64], strides = [1, 1]} : vector<2048x64xf32> to vector<256x64xf32>
    %slice3A_724 = vector.extract_strided_slice %convert_element_type3A_603 {offsets = [1280, 0], sizes = [256, 64], strides = [1, 1]} : vector<2048x64xf32> to vector<256x64xf32>
    %concatenate3A_725 = tpu.concatenate %slice3A_716, %slice3A_717, %slice3A_718, %slice3A_719, %slice3A_720, %slice3A_721, %slice3A_722, %slice3A_723, %slice3A_724 in 1 : vector<256x64xf32>, vector<256x64xf32>, vector<256x64xf32>, vector<256x64xf32>, vector<256x64xf32>, vector<256x64xf32>, vector<256x64xf32>, vector<256x64xf32>, vector<256x64xf32> -> vector<256x576xf32>
    %slice3A_726 = vector.extract_strided_slice %dot_general3A_605 {offsets = [320, 0], sizes = [64, 16], strides = [1, 1]} : vector<512x144xf32> to vector<64x16xf32>
    %slice3A_727 = vector.extract_strided_slice %dot_general3A_605 {offsets = [320, 16], sizes = [64, 16], strides = [1, 1]} : vector<512x144xf32> to vector<64x16xf32>
    %slice3A_728 = vector.extract_strided_slice %dot_general3A_605 {offsets = [320, 32], sizes = [64, 16], strides = [1, 1]} : vector<512x144xf32> to vector<64x16xf32>
    %slice3A_729 = vector.extract_strided_slice %dot_general3A_605 {offsets = [320, 48], sizes = [64, 16], strides = [1, 1]} : vector<512x144xf32> to vector<64x16xf32>
    %slice3A_730 = vector.extract_strided_slice %dot_general3A_605 {offsets = [320, 64], sizes = [64, 16], strides = [1, 1]} : vector<512x144xf32> to vector<64x16xf32>
    %slice3A_731 = vector.extract_strided_slice %dot_general3A_605 {offsets = [320, 80], sizes = [64, 16], strides = [1, 1]} : vector<512x144xf32> to vector<64x16xf32>
    %slice3A_732 = vector.extract_strided_slice %dot_general3A_605 {offsets = [320, 96], sizes = [64, 16], strides = [1, 1]} : vector<512x144xf32> to vector<64x16xf32>
    %slice3A_733 = vector.extract_strided_slice %dot_general3A_605 {offsets = [320, 112], sizes = [64, 16], strides = [1, 1]} : vector<512x144xf32> to vector<64x16xf32>
    %slice3A_734 = vector.extract_strided_slice %dot_general3A_605 {offsets = [320, 128], sizes = [64, 16], strides = [1, 1]} : vector<512x144xf32> to vector<64x16xf32>
    %concatenate3A_735 = tpu.concatenate %slice3A_726, %slice3A_727, %slice3A_728, %slice3A_729, %slice3A_730, %slice3A_731, %slice3A_732, %slice3A_733, %slice3A_734 in 0 : vector<64x16xf32>, vector<64x16xf32>, vector<64x16xf32>, vector<64x16xf32>, vector<64x16xf32>, vector<64x16xf32>, vector<64x16xf32>, vector<64x16xf32>, vector<64x16xf32> -> vector<576x16xf32>
    %dot_general3A_736 = arith.constant dense<0.000000e+00> : vector<256x16xf32>
    %dot_general3A_737 = tpu.matmul %concatenate3A_725, %concatenate3A_735, %dot_general3A_736 {dimension_numbers = #tpu.dot_dimension_numbers<[1], [0], [0], [1], [0, 0, 1, 1], [], []>, precision = #tpu.contract_precision<fp32>, transpose_lhs_hint = false} : vector<256x576xf32>, vector<576x16xf32>, vector<256x16xf32> -> vector<256x16xf32>
    %slice3A_738 = vector.extract_strided_slice %convert_element_type3A_459 {offsets = [1536, 0], sizes = [256, 64], strides = [1, 1]} : vector<2048x64xf32> to vector<256x64xf32>
    %slice3A_739 = vector.extract_strided_slice %convert_element_type3A_477 {offsets = [1536, 0], sizes = [256, 64], strides = [1, 1]} : vector<2048x64xf32> to vector<256x64xf32>
    %slice3A_740 = vector.extract_strided_slice %convert_element_type3A_495 {offsets = [1536, 0], sizes = [256, 64], strides = [1, 1]} : vector<2048x64xf32> to vector<256x64xf32>
    %slice3A_741 = vector.extract_strided_slice %convert_element_type3A_513 {offsets = [1536, 0], sizes = [256, 64], strides = [1, 1]} : vector<2048x64xf32> to vector<256x64xf32>
    %slice3A_742 = vector.extract_strided_slice %convert_element_type3A_531 {offsets = [1536, 0], sizes = [256, 64], strides = [1, 1]} : vector<2048x64xf32> to vector<256x64xf32>
    %slice3A_743 = vector.extract_strided_slice %convert_element_type3A_549 {offsets = [1536, 0], sizes = [256, 64], strides = [1, 1]} : vector<2048x64xf32> to vector<256x64xf32>
    %slice3A_744 = vector.extract_strided_slice %convert_element_type3A_567 {offsets = [1536, 0], sizes = [256, 64], strides = [1, 1]} : vector<2048x64xf32> to vector<256x64xf32>
    %slice3A_745 = vector.extract_strided_slice %convert_element_type3A_585 {offsets = [1536, 0], sizes = [256, 64], strides = [1, 1]} : vector<2048x64xf32> to vector<256x64xf32>
    %slice3A_746 = vector.extract_strided_slice %convert_element_type3A_603 {offsets = [1536, 0], sizes = [256, 64], strides = [1, 1]} : vector<2048x64xf32> to vector<256x64xf32>
    %concatenate3A_747 = tpu.concatenate %slice3A_738, %slice3A_739, %slice3A_740, %slice3A_741, %slice3A_742, %slice3A_743, %slice3A_744, %slice3A_745, %slice3A_746 in 1 : vector<256x64xf32>, vector<256x64xf32>, vector<256x64xf32>, vector<256x64xf32>, vector<256x64xf32>, vector<256x64xf32>, vector<256x64xf32>, vector<256x64xf32>, vector<256x64xf32> -> vector<256x576xf32>
    %slice3A_748 = vector.extract_strided_slice %dot_general3A_605 {offsets = [384, 0], sizes = [64, 16], strides = [1, 1]} : vector<512x144xf32> to vector<64x16xf32>
    %slice3A_749 = vector.extract_strided_slice %dot_general3A_605 {offsets = [384, 16], sizes = [64, 16], strides = [1, 1]} : vector<512x144xf32> to vector<64x16xf32>
    %slice3A_750 = vector.extract_strided_slice %dot_general3A_605 {offsets = [384, 32], sizes = [64, 16], strides = [1, 1]} : vector<512x144xf32> to vector<64x16xf32>
    %slice3A_751 = vector.extract_strided_slice %dot_general3A_605 {offsets = [384, 48], sizes = [64, 16], strides = [1, 1]} : vector<512x144xf32> to vector<64x16xf32>
    %slice3A_752 = vector.extract_strided_slice %dot_general3A_605 {offsets = [384, 64], sizes = [64, 16], strides = [1, 1]} : vector<512x144xf32> to vector<64x16xf32>
    %slice3A_753 = vector.extract_strided_slice %dot_general3A_605 {offsets = [384, 80], sizes = [64, 16], strides = [1, 1]} : vector<512x144xf32> to vector<64x16xf32>
    %slice3A_754 = vector.extract_strided_slice %dot_general3A_605 {offsets = [384, 96], sizes = [64, 16], strides = [1, 1]} : vector<512x144xf32> to vector<64x16xf32>
    %slice3A_755 = vector.extract_strided_slice %dot_general3A_605 {offsets = [384, 112], sizes = [64, 16], strides = [1, 1]} : vector<512x144xf32> to vector<64x16xf32>
    %slice3A_756 = vector.extract_strided_slice %dot_general3A_605 {offsets = [384, 128], sizes = [64, 16], strides = [1, 1]} : vector<512x144xf32> to vector<64x16xf32>
    %concatenate3A_757 = tpu.concatenate %slice3A_748, %slice3A_749, %slice3A_750, %slice3A_751, %slice3A_752, %slice3A_753, %slice3A_754, %slice3A_755, %slice3A_756 in 0 : vector<64x16xf32>, vector<64x16xf32>, vector<64x16xf32>, vector<64x16xf32>, vector<64x16xf32>, vector<64x16xf32>, vector<64x16xf32>, vector<64x16xf32>, vector<64x16xf32> -> vector<576x16xf32>
    %dot_general3A_758 = arith.constant dense<0.000000e+00> : vector<256x16xf32>
    %dot_general3A_759 = tpu.matmul %concatenate3A_747, %concatenate3A_757, %dot_general3A_758 {dimension_numbers = #tpu.dot_dimension_numbers<[1], [0], [0], [1], [0, 0, 1, 1], [], []>, precision = #tpu.contract_precision<fp32>, transpose_lhs_hint = false} : vector<256x576xf32>, vector<576x16xf32>, vector<256x16xf32> -> vector<256x16xf32>
    %slice3A_760 = vector.extract_strided_slice %convert_element_type3A_459 {offsets = [1792, 0], sizes = [256, 64], strides = [1, 1]} : vector<2048x64xf32> to vector<256x64xf32>
    %slice3A_761 = vector.extract_strided_slice %convert_element_type3A_477 {offsets = [1792, 0], sizes = [256, 64], strides = [1, 1]} : vector<2048x64xf32> to vector<256x64xf32>
    %slice3A_762 = vector.extract_strided_slice %convert_element_type3A_495 {offsets = [1792, 0], sizes = [256, 64], strides = [1, 1]} : vector<2048x64xf32> to vector<256x64xf32>
    %slice3A_763 = vector.extract_strided_slice %convert_element_type3A_513 {offsets = [1792, 0], sizes = [256, 64], strides = [1, 1]} : vector<2048x64xf32> to vector<256x64xf32>
    %slice3A_764 = vector.extract_strided_slice %convert_element_type3A_531 {offsets = [1792, 0], sizes = [256, 64], strides = [1, 1]} : vector<2048x64xf32> to vector<256x64xf32>
    %slice3A_765 = vector.extract_strided_slice %convert_element_type3A_549 {offsets = [1792, 0], sizes = [256, 64], strides = [1, 1]} : vector<2048x64xf32> to vector<256x64xf32>
    %slice3A_766 = vector.extract_strided_slice %convert_element_type3A_567 {offsets = [1792, 0], sizes = [256, 64], strides = [1, 1]} : vector<2048x64xf32> to vector<256x64xf32>
    %slice3A_767 = vector.extract_strided_slice %convert_element_type3A_585 {offsets = [1792, 0], sizes = [256, 64], strides = [1, 1]} : vector<2048x64xf32> to vector<256x64xf32>
    %slice3A_768 = vector.extract_strided_slice %convert_element_type3A_603 {offsets = [1792, 0], sizes = [256, 64], strides = [1, 1]} : vector<2048x64xf32> to vector<256x64xf32>
    %concatenate3A_769 = tpu.concatenate %slice3A_760, %slice3A_761, %slice3A_762, %slice3A_763, %slice3A_764, %slice3A_765, %slice3A_766, %slice3A_767, %slice3A_768 in 1 : vector<256x64xf32>, vector<256x64xf32>, vector<256x64xf32>, vector<256x64xf32>, vector<256x64xf32>, vector<256x64xf32>, vector<256x64xf32>, vector<256x64xf32>, vector<256x64xf32> -> vector<256x576xf32>
    %slice3A_770 = vector.extract_strided_slice %dot_general3A_605 {offsets = [448, 0], sizes = [64, 16], strides = [1, 1]} : vector<512x144xf32> to vector<64x16xf32>
    %slice3A_771 = vector.extract_strided_slice %dot_general3A_605 {offsets = [448, 16], sizes = [64, 16], strides = [1, 1]} : vector<512x144xf32> to vector<64x16xf32>
    %slice3A_772 = vector.extract_strided_slice %dot_general3A_605 {offsets = [448, 32], sizes = [64, 16], strides = [1, 1]} : vector<512x144xf32> to vector<64x16xf32>
    %slice3A_773 = vector.extract_strided_slice %dot_general3A_605 {offsets = [448, 48], sizes = [64, 16], strides = [1, 1]} : vector<512x144xf32> to vector<64x16xf32>
    %slice3A_774 = vector.extract_strided_slice %dot_general3A_605 {offsets = [448, 64], sizes = [64, 16], strides = [1, 1]} : vector<512x144xf32> to vector<64x16xf32>
    %slice3A_775 = vector.extract_strided_slice %dot_general3A_605 {offsets = [448, 80], sizes = [64, 16], strides = [1, 1]} : vector<512x144xf32> to vector<64x16xf32>
    %slice3A_776 = vector.extract_strided_slice %dot_general3A_605 {offsets = [448, 96], sizes = [64, 16], strides = [1, 1]} : vector<512x144xf32> to vector<64x16xf32>
    %slice3A_777 = vector.extract_strided_slice %dot_general3A_605 {offsets = [448, 112], sizes = [64, 16], strides = [1, 1]} : vector<512x144xf32> to vector<64x16xf32>
    %slice3A_778 = vector.extract_strided_slice %dot_general3A_605 {offsets = [448, 128], sizes = [64, 16], strides = [1, 1]} : vector<512x144xf32> to vector<64x16xf32>
    %concatenate3A_779 = tpu.concatenate %slice3A_770, %slice3A_771, %slice3A_772, %slice3A_773, %slice3A_774, %slice3A_775, %slice3A_776, %slice3A_777, %slice3A_778 in 0 : vector<64x16xf32>, vector<64x16xf32>, vector<64x16xf32>, vector<64x16xf32>, vector<64x16xf32>, vector<64x16xf32>, vector<64x16xf32>, vector<64x16xf32>, vector<64x16xf32> -> vector<576x16xf32>
    %dot_general3A_780 = arith.constant dense<0.000000e+00> : vector<256x16xf32>
    %dot_general3A_781 = tpu.matmul %concatenate3A_769, %concatenate3A_779, %dot_general3A_780 {dimension_numbers = #tpu.dot_dimension_numbers<[1], [0], [0], [1], [0, 0, 1, 1], [], []>, precision = #tpu.contract_precision<fp32>, transpose_lhs_hint = false} : vector<256x576xf32>, vector<576x16xf32>, vector<256x16xf32> -> vector<256x16xf32>
    %concatenate3A_782 = tpu.concatenate %dot_general3A_627, %dot_general3A_649, %dot_general3A_671, %dot_general3A_693, %dot_general3A_715, %dot_general3A_737, %dot_general3A_759, %dot_general3A_781 in 0 : vector<256x16xf32>, vector<256x16xf32>, vector<256x16xf32>, vector<256x16xf32>, vector<256x16xf32>, vector<256x16xf32>, vector<256x16xf32>, vector<256x16xf32> -> vector<2048x16xf32>
    %add3A_783 = vector.broadcast %get3A_358 : vector<1x16xf32> to vector<2048x16xf32>
    %add3A_784 = arith.addf %concatenate3A_782, %add3A_783 : vector<2048x16xf32>
    %concatenate3A_785 = tpu.concatenate %add3A_404, %add3A_784 in 1 : vector<2048x16xf32>, vector<2048x16xf32> -> vector<2048x32xf32>
    %dot_general3A_786 = arith.constant dense<0.000000e+00> : vector<2048x64xf32>
    %dot_general3A_787 = tpu.matmul %concatenate3A_785, %get3A_352, %dot_general3A_786 {dimension_numbers = #tpu.dot_dimension_numbers<[1], [0], [0], [1], [0, 0, 1, 1], [], []>, transpose_lhs_hint = false} : vector<2048x32xf32>, vector<32x64xf32>, vector<2048x64xf32> -> vector<2048x64xf32>
    %add3A_788 = vector.broadcast %get3A_361 : vector<1x64xf32> to vector<2048x64xf32>
    %add3A_789 = arith.addf %dot_general3A_787, %add3A_788 : vector<2048x64xf32>
    %max3A = arith.constant 0.000000e+00 : f32
    %max3A_790 = vector.broadcast %max3A : f32 to vector<2048x64xf32>
    %max3A_791 = arith.maximumf %add3A_789, %max3A_790 : vector<2048x64xf32>
    %get3A_792 = arith.constant 0 : index
    %get3A_793 = arith.constant 0 : index
    %get3A_794 = vector.load %arg10[%get3A_792, %get3A_793] : memref<576x32xf32, #tpu.memory_space<vmem>>, vector<576x32xf32>
    %get3A_795 = arith.constant 0 : index
    %get3A_796 = arith.constant 0 : index
    %get3A_797 = vector.load %arg11[%get3A_795, %get3A_796] : memref<64x288xf32, #tpu.memory_space<vmem>>, vector<64x288xf32>
    %get3A_798 = arith.constant 0 : index
    %get3A_799 = arith.constant 0 : index
    %get3A_800 = vector.load %arg12[%get3A_798, %get3A_799] : memref<64x128xf32, #tpu.memory_space<vmem>>, vector<64x128xf32>
    %get3A_801 = arith.constant 0 : index
    %get3A_802 = arith.constant 0 : index
    %get3A_803 = vector.load %arg13[%get3A_801, %get3A_802] : memref<1x32xf32, #tpu.memory_space<vmem>>, vector<1x32xf32>
    %get3A_804 = arith.constant 0 : index
    %get3A_805 = arith.constant 0 : index
    %get3A_806 = vector.load %arg14[%get3A_804, %get3A_805] : memref<1x32xf32, #tpu.memory_space<vmem>>, vector<1x32xf32>
    %get3A_807 = arith.constant 0 : index
    %get3A_808 = arith.constant 0 : index
    %get3A_809 = vector.load %arg15[%get3A_807, %get3A_808] : memref<1x128xf32, #tpu.memory_space<vmem>>, vector<1x128xf32>
    %slice3A_810 = vector.extract_strided_slice %max3A_791 {offsets = [2031, 0], sizes = [17, 64], strides = [1, 1]} : vector<2048x64xf32> to vector<17x64xf32>
    %slice3A_811 = vector.extract_strided_slice %max3A_791 {offsets = [0, 0], sizes = [2031, 64], strides = [1, 1]} : vector<2048x64xf32> to vector<2031x64xf32>
    %concatenate3A_812 = tpu.concatenate %slice3A_810, %slice3A_811 in 0 : vector<17x64xf32>, vector<2031x64xf32> -> vector<2048x64xf32>
    %mul3A_813 = vector.broadcast %convert_element_type3A_89 : vector<2048x1xf32> to vector<2048x64xf32>
    %mul3A_814 = arith.mulf %concatenate3A_812, %mul3A_813 : vector<2048x64xf32>
    %slice3A_815 = vector.extract_strided_slice %max3A_791 {offsets = [2032, 0], sizes = [16, 64], strides = [1, 1]} : vector<2048x64xf32> to vector<16x64xf32>
    %slice3A_816 = vector.extract_strided_slice %max3A_791 {offsets = [0, 0], sizes = [2032, 64], strides = [1, 1]} : vector<2048x64xf32> to vector<2032x64xf32>
    %concatenate3A_817 = tpu.concatenate %slice3A_815, %slice3A_816 in 0 : vector<16x64xf32>, vector<2032x64xf32> -> vector<2048x64xf32>
    %mul3A_818 = vector.broadcast %convert_element_type3A_118 : vector<2048x1xf32> to vector<2048x64xf32>
    %mul3A_819 = arith.mulf %concatenate3A_817, %mul3A_818 : vector<2048x64xf32>
    %slice3A_820 = vector.extract_strided_slice %max3A_791 {offsets = [2033, 0], sizes = [15, 64], strides = [1, 1]} : vector<2048x64xf32> to vector<15x64xf32>
    %slice3A_821 = vector.extract_strided_slice %max3A_791 {offsets = [0, 0], sizes = [2033, 64], strides = [1, 1]} : vector<2048x64xf32> to vector<2033x64xf32>
    %concatenate3A_822 = tpu.concatenate %slice3A_820, %slice3A_821 in 0 : vector<15x64xf32>, vector<2033x64xf32> -> vector<2048x64xf32>
    %mul3A_823 = vector.broadcast %convert_element_type3A_147 : vector<2048x1xf32> to vector<2048x64xf32>
    %mul3A_824 = arith.mulf %concatenate3A_822, %mul3A_823 : vector<2048x64xf32>
    %slice3A_825 = vector.extract_strided_slice %max3A_791 {offsets = [2047, 0], sizes = [1, 64], strides = [1, 1]} : vector<2048x64xf32> to vector<1x64xf32>
    %slice3A_826 = vector.extract_strided_slice %max3A_791 {offsets = [0, 0], sizes = [2047, 64], strides = [1, 1]} : vector<2048x64xf32> to vector<2047x64xf32>
    %concatenate3A_827 = tpu.concatenate %slice3A_825, %slice3A_826 in 0 : vector<1x64xf32>, vector<2047x64xf32> -> vector<2048x64xf32>
    %mul3A_828 = vector.broadcast %convert_element_type3A_176 : vector<2048x1xf32> to vector<2048x64xf32>
    %mul3A_829 = arith.mulf %concatenate3A_827, %mul3A_828 : vector<2048x64xf32>
    %mul3A_830 = vector.broadcast %convert_element_type3A_205 : vector<2048x1xf32> to vector<2048x64xf32>
    %mul3A_831 = arith.mulf %max3A_791, %mul3A_830 : vector<2048x64xf32>
    %slice3A_832 = vector.extract_strided_slice %max3A_791 {offsets = [1, 0], sizes = [2047, 64], strides = [1, 1]} : vector<2048x64xf32> to vector<2047x64xf32>
    %slice3A_833 = vector.extract_strided_slice %max3A_791 {offsets = [0, 0], sizes = [1, 64], strides = [1, 1]} : vector<2048x64xf32> to vector<1x64xf32>
    %concatenate3A_834 = tpu.concatenate %slice3A_832, %slice3A_833 in 0 : vector<2047x64xf32>, vector<1x64xf32> -> vector<2048x64xf32>
    %mul3A_835 = vector.broadcast %convert_element_type3A_234 : vector<2048x1xf32> to vector<2048x64xf32>
    %mul3A_836 = arith.mulf %concatenate3A_834, %mul3A_835 : vector<2048x64xf32>
    %slice3A_837 = vector.extract_strided_slice %max3A_791 {offsets = [15, 0], sizes = [2033, 64], strides = [1, 1]} : vector<2048x64xf32> to vector<2033x64xf32>
    %slice3A_838 = vector.extract_strided_slice %max3A_791 {offsets = [0, 0], sizes = [15, 64], strides = [1, 1]} : vector<2048x64xf32> to vector<15x64xf32>
    %concatenate3A_839 = tpu.concatenate %slice3A_837, %slice3A_838 in 0 : vector<2033x64xf32>, vector<15x64xf32> -> vector<2048x64xf32>
    %mul3A_840 = vector.broadcast %convert_element_type3A_263 : vector<2048x1xf32> to vector<2048x64xf32>
    %mul3A_841 = arith.mulf %concatenate3A_839, %mul3A_840 : vector<2048x64xf32>
    %slice3A_842 = vector.extract_strided_slice %max3A_791 {offsets = [16, 0], sizes = [2032, 64], strides = [1, 1]} : vector<2048x64xf32> to vector<2032x64xf32>
    %slice3A_843 = vector.extract_strided_slice %max3A_791 {offsets = [0, 0], sizes = [16, 64], strides = [1, 1]} : vector<2048x64xf32> to vector<16x64xf32>
    %concatenate3A_844 = tpu.concatenate %slice3A_842, %slice3A_843 in 0 : vector<2032x64xf32>, vector<16x64xf32> -> vector<2048x64xf32>
    %mul3A_845 = vector.broadcast %convert_element_type3A_292 : vector<2048x1xf32> to vector<2048x64xf32>
    %mul3A_846 = arith.mulf %concatenate3A_844, %mul3A_845 : vector<2048x64xf32>
    %slice3A_847 = vector.extract_strided_slice %max3A_791 {offsets = [17, 0], sizes = [2031, 64], strides = [1, 1]} : vector<2048x64xf32> to vector<2031x64xf32>
    %slice3A_848 = vector.extract_strided_slice %max3A_791 {offsets = [0, 0], sizes = [17, 64], strides = [1, 1]} : vector<2048x64xf32> to vector<17x64xf32>
    %concatenate3A_849 = tpu.concatenate %slice3A_847, %slice3A_848 in 0 : vector<2031x64xf32>, vector<17x64xf32> -> vector<2048x64xf32>
    %mul3A_850 = vector.broadcast %convert_element_type3A_321 : vector<2048x1xf32> to vector<2048x64xf32>
    %mul3A_851 = arith.mulf %concatenate3A_849, %mul3A_850 : vector<2048x64xf32>
    %concatenate3A_852 = tpu.concatenate %mul3A_814, %mul3A_819, %mul3A_824, %mul3A_829, %mul3A_831, %mul3A_836, %mul3A_841, %mul3A_846, %mul3A_851 in 1 : vector<2048x64xf32>, vector<2048x64xf32>, vector<2048x64xf32>, vector<2048x64xf32>, vector<2048x64xf32>, vector<2048x64xf32>, vector<2048x64xf32>, vector<2048x64xf32>, vector<2048x64xf32> -> vector<2048x576xf32>
    %dot_general3A_853 = arith.constant dense<0.000000e+00> : vector<2048x32xf32>
    %dot_general3A_854 = tpu.matmul %concatenate3A_852, %get3A_794, %dot_general3A_853 {dimension_numbers = #tpu.dot_dimension_numbers<[1], [0], [0], [1], [0, 0, 1, 1], [], []>, transpose_lhs_hint = false} : vector<2048x576xf32>, vector<576x32xf32>, vector<2048x32xf32> -> vector<2048x32xf32>
    %add3A_855 = vector.broadcast %get3A_803 : vector<1x32xf32> to vector<2048x32xf32>
    %add3A_856 = arith.addf %dot_general3A_854, %add3A_855 : vector<2048x32xf32>
    %slice3A_857 = vector.extract_strided_slice %max3A_791 {offsets = [0, 0], sizes = [256, 64], strides = [1, 1]} : vector<2048x64xf32> to vector<256x64xf32>
    %dot_general3A_858 = arith.constant dense<0.000000e+00> : vector<64x64xf32>
    %dot_general3A_859 = tpu.matmul %convert_element_type3A_335, %slice3A_857, %dot_general3A_858 {dimension_numbers = #tpu.dot_dimension_numbers<[1], [0], [0], [1], [0, 0, 1, 1], [], []>, transpose_lhs_hint = false} : vector<64x256xf32>, vector<256x64xf32>, vector<64x64xf32> -> vector<64x64xf32>
    %dot_general3A_860 = arith.constant dense<0.000000e+00> : vector<256x64xf32>
    %dot_general3A_861 = tpu.matmul %slice3A_857, %dot_general3A_859, %dot_general3A_860 {dimension_numbers = #tpu.dot_dimension_numbers<[1], [1], [0], [0], [0, 0, 1, 0], [], []>, transpose_lhs_hint = false} : vector<256x64xf32>, vector<64x64xf32>, vector<256x64xf32> -> vector<256x64xf32>
    %slice3A_862 = vector.extract_strided_slice %max3A_791 {offsets = [256, 0], sizes = [256, 64], strides = [1, 1]} : vector<2048x64xf32> to vector<256x64xf32>
    %dot_general3A_863 = arith.constant dense<0.000000e+00> : vector<64x64xf32>
    %dot_general3A_864 = tpu.matmul %convert_element_type3A_335, %slice3A_862, %dot_general3A_863 {dimension_numbers = #tpu.dot_dimension_numbers<[1], [0], [0], [1], [0, 0, 1, 1], [], []>, transpose_lhs_hint = false} : vector<64x256xf32>, vector<256x64xf32>, vector<64x64xf32> -> vector<64x64xf32>
    %dot_general3A_865 = arith.constant dense<0.000000e+00> : vector<256x64xf32>
    %dot_general3A_866 = tpu.matmul %slice3A_862, %dot_general3A_864, %dot_general3A_865 {dimension_numbers = #tpu.dot_dimension_numbers<[1], [1], [0], [0], [0, 0, 1, 0], [], []>, transpose_lhs_hint = false} : vector<256x64xf32>, vector<64x64xf32>, vector<256x64xf32> -> vector<256x64xf32>
    %slice3A_867 = vector.extract_strided_slice %max3A_791 {offsets = [512, 0], sizes = [256, 64], strides = [1, 1]} : vector<2048x64xf32> to vector<256x64xf32>
    %dot_general3A_868 = arith.constant dense<0.000000e+00> : vector<64x64xf32>
    %dot_general3A_869 = tpu.matmul %convert_element_type3A_335, %slice3A_867, %dot_general3A_868 {dimension_numbers = #tpu.dot_dimension_numbers<[1], [0], [0], [1], [0, 0, 1, 1], [], []>, transpose_lhs_hint = false} : vector<64x256xf32>, vector<256x64xf32>, vector<64x64xf32> -> vector<64x64xf32>
    %dot_general3A_870 = arith.constant dense<0.000000e+00> : vector<256x64xf32>
    %dot_general3A_871 = tpu.matmul %slice3A_867, %dot_general3A_869, %dot_general3A_870 {dimension_numbers = #tpu.dot_dimension_numbers<[1], [1], [0], [0], [0, 0, 1, 0], [], []>, transpose_lhs_hint = false} : vector<256x64xf32>, vector<64x64xf32>, vector<256x64xf32> -> vector<256x64xf32>
    %slice3A_872 = vector.extract_strided_slice %max3A_791 {offsets = [768, 0], sizes = [256, 64], strides = [1, 1]} : vector<2048x64xf32> to vector<256x64xf32>
    %dot_general3A_873 = arith.constant dense<0.000000e+00> : vector<64x64xf32>
    %dot_general3A_874 = tpu.matmul %convert_element_type3A_335, %slice3A_872, %dot_general3A_873 {dimension_numbers = #tpu.dot_dimension_numbers<[1], [0], [0], [1], [0, 0, 1, 1], [], []>, transpose_lhs_hint = false} : vector<64x256xf32>, vector<256x64xf32>, vector<64x64xf32> -> vector<64x64xf32>
    %dot_general3A_875 = arith.constant dense<0.000000e+00> : vector<256x64xf32>
    %dot_general3A_876 = tpu.matmul %slice3A_872, %dot_general3A_874, %dot_general3A_875 {dimension_numbers = #tpu.dot_dimension_numbers<[1], [1], [0], [0], [0, 0, 1, 0], [], []>, transpose_lhs_hint = false} : vector<256x64xf32>, vector<64x64xf32>, vector<256x64xf32> -> vector<256x64xf32>
    %slice3A_877 = vector.extract_strided_slice %max3A_791 {offsets = [1024, 0], sizes = [256, 64], strides = [1, 1]} : vector<2048x64xf32> to vector<256x64xf32>
    %dot_general3A_878 = arith.constant dense<0.000000e+00> : vector<64x64xf32>
    %dot_general3A_879 = tpu.matmul %convert_element_type3A_335, %slice3A_877, %dot_general3A_878 {dimension_numbers = #tpu.dot_dimension_numbers<[1], [0], [0], [1], [0, 0, 1, 1], [], []>, transpose_lhs_hint = false} : vector<64x256xf32>, vector<256x64xf32>, vector<64x64xf32> -> vector<64x64xf32>
    %dot_general3A_880 = arith.constant dense<0.000000e+00> : vector<256x64xf32>
    %dot_general3A_881 = tpu.matmul %slice3A_877, %dot_general3A_879, %dot_general3A_880 {dimension_numbers = #tpu.dot_dimension_numbers<[1], [1], [0], [0], [0, 0, 1, 0], [], []>, transpose_lhs_hint = false} : vector<256x64xf32>, vector<64x64xf32>, vector<256x64xf32> -> vector<256x64xf32>
    %slice3A_882 = vector.extract_strided_slice %max3A_791 {offsets = [1280, 0], sizes = [256, 64], strides = [1, 1]} : vector<2048x64xf32> to vector<256x64xf32>
    %dot_general3A_883 = arith.constant dense<0.000000e+00> : vector<64x64xf32>
    %dot_general3A_884 = tpu.matmul %convert_element_type3A_335, %slice3A_882, %dot_general3A_883 {dimension_numbers = #tpu.dot_dimension_numbers<[1], [0], [0], [1], [0, 0, 1, 1], [], []>, transpose_lhs_hint = false} : vector<64x256xf32>, vector<256x64xf32>, vector<64x64xf32> -> vector<64x64xf32>
    %dot_general3A_885 = arith.constant dense<0.000000e+00> : vector<256x64xf32>
    %dot_general3A_886 = tpu.matmul %slice3A_882, %dot_general3A_884, %dot_general3A_885 {dimension_numbers = #tpu.dot_dimension_numbers<[1], [1], [0], [0], [0, 0, 1, 0], [], []>, transpose_lhs_hint = false} : vector<256x64xf32>, vector<64x64xf32>, vector<256x64xf32> -> vector<256x64xf32>
    %slice3A_887 = vector.extract_strided_slice %max3A_791 {offsets = [1536, 0], sizes = [256, 64], strides = [1, 1]} : vector<2048x64xf32> to vector<256x64xf32>
    %dot_general3A_888 = arith.constant dense<0.000000e+00> : vector<64x64xf32>
    %dot_general3A_889 = tpu.matmul %convert_element_type3A_335, %slice3A_887, %dot_general3A_888 {dimension_numbers = #tpu.dot_dimension_numbers<[1], [0], [0], [1], [0, 0, 1, 1], [], []>, transpose_lhs_hint = false} : vector<64x256xf32>, vector<256x64xf32>, vector<64x64xf32> -> vector<64x64xf32>
    %dot_general3A_890 = arith.constant dense<0.000000e+00> : vector<256x64xf32>
    %dot_general3A_891 = tpu.matmul %slice3A_887, %dot_general3A_889, %dot_general3A_890 {dimension_numbers = #tpu.dot_dimension_numbers<[1], [1], [0], [0], [0, 0, 1, 0], [], []>, transpose_lhs_hint = false} : vector<256x64xf32>, vector<64x64xf32>, vector<256x64xf32> -> vector<256x64xf32>
    %slice3A_892 = vector.extract_strided_slice %max3A_791 {offsets = [1792, 0], sizes = [256, 64], strides = [1, 1]} : vector<2048x64xf32> to vector<256x64xf32>
    %dot_general3A_893 = arith.constant dense<0.000000e+00> : vector<64x64xf32>
    %dot_general3A_894 = tpu.matmul %convert_element_type3A_335, %slice3A_892, %dot_general3A_893 {dimension_numbers = #tpu.dot_dimension_numbers<[1], [0], [0], [1], [0, 0, 1, 1], [], []>, transpose_lhs_hint = false} : vector<64x256xf32>, vector<256x64xf32>, vector<64x64xf32> -> vector<64x64xf32>
    %dot_general3A_895 = arith.constant dense<0.000000e+00> : vector<256x64xf32>
    %dot_general3A_896 = tpu.matmul %slice3A_892, %dot_general3A_894, %dot_general3A_895 {dimension_numbers = #tpu.dot_dimension_numbers<[1], [1], [0], [0], [0, 0, 1, 0], [], []>, transpose_lhs_hint = false} : vector<256x64xf32>, vector<64x64xf32>, vector<256x64xf32> -> vector<256x64xf32>
    %concatenate3A_897 = tpu.concatenate %dot_general3A_859, %dot_general3A_864, %dot_general3A_869, %dot_general3A_874, %dot_general3A_879, %dot_general3A_884, %dot_general3A_889, %dot_general3A_894 in 0 : vector<64x64xf32>, vector<64x64xf32>, vector<64x64xf32>, vector<64x64xf32>, vector<64x64xf32>, vector<64x64xf32>, vector<64x64xf32>, vector<64x64xf32> -> vector<512x64xf32>
    %concatenate3A_898 = tpu.concatenate %dot_general3A_861, %dot_general3A_866, %dot_general3A_871, %dot_general3A_876, %dot_general3A_881, %dot_general3A_886, %dot_general3A_891, %dot_general3A_896 in 0 : vector<256x64xf32>, vector<256x64xf32>, vector<256x64xf32>, vector<256x64xf32>, vector<256x64xf32>, vector<256x64xf32>, vector<256x64xf32>, vector<256x64xf32> -> vector<2048x64xf32>
    %reduce_max3A_899 = arith.constant dense<0xFF800000> : vector<2048xf32>
    %reduce_max3A_900 = vector.multi_reduction <maximumf>, %concatenate3A_898, %reduce_max3A_899 [1] : vector<2048x64xf32> to vector<2048xf32>
    %broadcast_in_dim3A_901 = vector.shape_cast %reduce_max3A_900 : vector<2048xf32> to vector<2048x1xf32>
    %eq3A_902 = vector.broadcast %broadcast_in_dim3A_901 : vector<2048x1xf32> to vector<2048x64xf32>
    %eq3A_903 = arith.cmpf oeq, %concatenate3A_898, %eq3A_902 : vector<2048x64xf32>
    %convert_element_type3A_904 = arith.extui %eq3A_903 : vector<2048x64xi1> to vector<2048x64xi32>
    %convert_element_type3A_905 = arith.sitofp %convert_element_type3A_904 : vector<2048x64xi32> to vector<2048x64xf32>
    %dot_general3A_906 = arith.constant dense<0.000000e+00> : vector<2048x64xf32>
    %dot_general3A_907 = tpu.matmul %convert_element_type3A_905, %convert_element_type3A_340, %dot_general3A_906 {dimension_numbers = #tpu.dot_dimension_numbers<[1], [0], [0], [1], [0, 0, 1, 1], [], []>, transpose_lhs_hint = false} : vector<2048x64xf32>, vector<64x64xf32>, vector<2048x64xf32> -> vector<2048x64xf32>
    %lt3A_908 = arith.constant 5.000000e-01 : f32
    %lt3A_909 = vector.broadcast %lt3A_908 : f32 to vector<2048x64xf32>
    %lt3A_910 = arith.cmpf olt, %dot_general3A_907, %lt3A_909 : vector<2048x64xf32>
    %and3A_911 = arith.andi %eq3A_903, %lt3A_910 : vector<2048x64xi1>
    %convert_element_type3A_912 = arith.extui %and3A_911 : vector<2048x64xi1> to vector<2048x64xi32>
    %convert_element_type3A_913 = arith.sitofp %convert_element_type3A_912 : vector<2048x64xi32> to vector<2048x64xf32>
    %jit3A_914 = arith.constant 0xFF800000 : f32
    %broadcast_in_dim3A_915 = vector.broadcast %jit3A_914 : f32 to vector<2048x64xf32>
    %select_n3A_916 = arith.select %and3A_911, %broadcast_in_dim3A_915, %concatenate3A_898 : vector<2048x64xi1>, vector<2048x64xf32>
    %reduce_max3A_917 = arith.constant dense<0xFF800000> : vector<2048xf32>
    %reduce_max3A_918 = vector.multi_reduction <maximumf>, %select_n3A_916, %reduce_max3A_917 [1] : vector<2048x64xf32> to vector<2048xf32>
    %broadcast_in_dim3A_919 = vector.shape_cast %reduce_max3A_918 : vector<2048xf32> to vector<2048x1xf32>
    %eq3A_920 = vector.broadcast %broadcast_in_dim3A_919 : vector<2048x1xf32> to vector<2048x64xf32>
    %eq3A_921 = arith.cmpf oeq, %select_n3A_916, %eq3A_920 : vector<2048x64xf32>
    %convert_element_type3A_922 = arith.extui %eq3A_921 : vector<2048x64xi1> to vector<2048x64xi32>
    %convert_element_type3A_923 = arith.sitofp %convert_element_type3A_922 : vector<2048x64xi32> to vector<2048x64xf32>
    %dot_general3A_924 = arith.constant dense<0.000000e+00> : vector<2048x64xf32>
    %dot_general3A_925 = tpu.matmul %convert_element_type3A_923, %convert_element_type3A_340, %dot_general3A_924 {dimension_numbers = #tpu.dot_dimension_numbers<[1], [0], [0], [1], [0, 0, 1, 1], [], []>, transpose_lhs_hint = false} : vector<2048x64xf32>, vector<64x64xf32>, vector<2048x64xf32> -> vector<2048x64xf32>
    %lt3A_926 = arith.constant 5.000000e-01 : f32
    %lt3A_927 = vector.broadcast %lt3A_926 : f32 to vector<2048x64xf32>
    %lt3A_928 = arith.cmpf olt, %dot_general3A_925, %lt3A_927 : vector<2048x64xf32>
    %and3A_929 = arith.andi %eq3A_921, %lt3A_928 : vector<2048x64xi1>
    %convert_element_type3A_930 = arith.extui %and3A_929 : vector<2048x64xi1> to vector<2048x64xi32>
    %convert_element_type3A_931 = arith.sitofp %convert_element_type3A_930 : vector<2048x64xi32> to vector<2048x64xf32>
    %jit3A_932 = arith.constant 0xFF800000 : f32
    %broadcast_in_dim3A_933 = vector.broadcast %jit3A_932 : f32 to vector<2048x64xf32>
    %select_n3A_934 = arith.select %and3A_929, %broadcast_in_dim3A_933, %select_n3A_916 : vector<2048x64xi1>, vector<2048x64xf32>
    %reduce_max3A_935 = arith.constant dense<0xFF800000> : vector<2048xf32>
    %reduce_max3A_936 = vector.multi_reduction <maximumf>, %select_n3A_934, %reduce_max3A_935 [1] : vector<2048x64xf32> to vector<2048xf32>
    %broadcast_in_dim3A_937 = vector.shape_cast %reduce_max3A_936 : vector<2048xf32> to vector<2048x1xf32>
    %eq3A_938 = vector.broadcast %broadcast_in_dim3A_937 : vector<2048x1xf32> to vector<2048x64xf32>
    %eq3A_939 = arith.cmpf oeq, %select_n3A_934, %eq3A_938 : vector<2048x64xf32>
    %convert_element_type3A_940 = arith.extui %eq3A_939 : vector<2048x64xi1> to vector<2048x64xi32>
    %convert_element_type3A_941 = arith.sitofp %convert_element_type3A_940 : vector<2048x64xi32> to vector<2048x64xf32>
    %dot_general3A_942 = arith.constant dense<0.000000e+00> : vector<2048x64xf32>
    %dot_general3A_943 = tpu.matmul %convert_element_type3A_941, %convert_element_type3A_340, %dot_general3A_942 {dimension_numbers = #tpu.dot_dimension_numbers<[1], [0], [0], [1], [0, 0, 1, 1], [], []>, transpose_lhs_hint = false} : vector<2048x64xf32>, vector<64x64xf32>, vector<2048x64xf32> -> vector<2048x64xf32>
    %lt3A_944 = arith.constant 5.000000e-01 : f32
    %lt3A_945 = vector.broadcast %lt3A_944 : f32 to vector<2048x64xf32>
    %lt3A_946 = arith.cmpf olt, %dot_general3A_943, %lt3A_945 : vector<2048x64xf32>
    %and3A_947 = arith.andi %eq3A_939, %lt3A_946 : vector<2048x64xi1>
    %convert_element_type3A_948 = arith.extui %and3A_947 : vector<2048x64xi1> to vector<2048x64xi32>
    %convert_element_type3A_949 = arith.sitofp %convert_element_type3A_948 : vector<2048x64xi32> to vector<2048x64xf32>
    %jit3A_950 = arith.constant 0xFF800000 : f32
    %broadcast_in_dim3A_951 = vector.broadcast %jit3A_950 : f32 to vector<2048x64xf32>
    %select_n3A_952 = arith.select %and3A_947, %broadcast_in_dim3A_951, %select_n3A_934 : vector<2048x64xi1>, vector<2048x64xf32>
    %reduce_max3A_953 = arith.constant dense<0xFF800000> : vector<2048xf32>
    %reduce_max3A_954 = vector.multi_reduction <maximumf>, %select_n3A_952, %reduce_max3A_953 [1] : vector<2048x64xf32> to vector<2048xf32>
    %broadcast_in_dim3A_955 = vector.shape_cast %reduce_max3A_954 : vector<2048xf32> to vector<2048x1xf32>
    %eq3A_956 = vector.broadcast %broadcast_in_dim3A_955 : vector<2048x1xf32> to vector<2048x64xf32>
    %eq3A_957 = arith.cmpf oeq, %select_n3A_952, %eq3A_956 : vector<2048x64xf32>
    %convert_element_type3A_958 = arith.extui %eq3A_957 : vector<2048x64xi1> to vector<2048x64xi32>
    %convert_element_type3A_959 = arith.sitofp %convert_element_type3A_958 : vector<2048x64xi32> to vector<2048x64xf32>
    %dot_general3A_960 = arith.constant dense<0.000000e+00> : vector<2048x64xf32>
    %dot_general3A_961 = tpu.matmul %convert_element_type3A_959, %convert_element_type3A_340, %dot_general3A_960 {dimension_numbers = #tpu.dot_dimension_numbers<[1], [0], [0], [1], [0, 0, 1, 1], [], []>, transpose_lhs_hint = false} : vector<2048x64xf32>, vector<64x64xf32>, vector<2048x64xf32> -> vector<2048x64xf32>
    %lt3A_962 = arith.constant 5.000000e-01 : f32
    %lt3A_963 = vector.broadcast %lt3A_962 : f32 to vector<2048x64xf32>
    %lt3A_964 = arith.cmpf olt, %dot_general3A_961, %lt3A_963 : vector<2048x64xf32>
    %and3A_965 = arith.andi %eq3A_957, %lt3A_964 : vector<2048x64xi1>
    %convert_element_type3A_966 = arith.extui %and3A_965 : vector<2048x64xi1> to vector<2048x64xi32>
    %convert_element_type3A_967 = arith.sitofp %convert_element_type3A_966 : vector<2048x64xi32> to vector<2048x64xf32>
    %jit3A_968 = arith.constant 0xFF800000 : f32
    %broadcast_in_dim3A_969 = vector.broadcast %jit3A_968 : f32 to vector<2048x64xf32>
    %select_n3A_970 = arith.select %and3A_965, %broadcast_in_dim3A_969, %select_n3A_952 : vector<2048x64xi1>, vector<2048x64xf32>
    %reduce_max3A_971 = arith.constant dense<0xFF800000> : vector<2048xf32>
    %reduce_max3A_972 = vector.multi_reduction <maximumf>, %select_n3A_970, %reduce_max3A_971 [1] : vector<2048x64xf32> to vector<2048xf32>
    %broadcast_in_dim3A_973 = vector.shape_cast %reduce_max3A_972 : vector<2048xf32> to vector<2048x1xf32>
    %eq3A_974 = vector.broadcast %broadcast_in_dim3A_973 : vector<2048x1xf32> to vector<2048x64xf32>
    %eq3A_975 = arith.cmpf oeq, %select_n3A_970, %eq3A_974 : vector<2048x64xf32>
    %convert_element_type3A_976 = arith.extui %eq3A_975 : vector<2048x64xi1> to vector<2048x64xi32>
    %convert_element_type3A_977 = arith.sitofp %convert_element_type3A_976 : vector<2048x64xi32> to vector<2048x64xf32>
    %dot_general3A_978 = arith.constant dense<0.000000e+00> : vector<2048x64xf32>
    %dot_general3A_979 = tpu.matmul %convert_element_type3A_977, %convert_element_type3A_340, %dot_general3A_978 {dimension_numbers = #tpu.dot_dimension_numbers<[1], [0], [0], [1], [0, 0, 1, 1], [], []>, transpose_lhs_hint = false} : vector<2048x64xf32>, vector<64x64xf32>, vector<2048x64xf32> -> vector<2048x64xf32>
    %lt3A_980 = arith.constant 5.000000e-01 : f32
    %lt3A_981 = vector.broadcast %lt3A_980 : f32 to vector<2048x64xf32>
    %lt3A_982 = arith.cmpf olt, %dot_general3A_979, %lt3A_981 : vector<2048x64xf32>
    %and3A_983 = arith.andi %eq3A_975, %lt3A_982 : vector<2048x64xi1>
    %convert_element_type3A_984 = arith.extui %and3A_983 : vector<2048x64xi1> to vector<2048x64xi32>
    %convert_element_type3A_985 = arith.sitofp %convert_element_type3A_984 : vector<2048x64xi32> to vector<2048x64xf32>
    %jit3A_986 = arith.constant 0xFF800000 : f32
    %broadcast_in_dim3A_987 = vector.broadcast %jit3A_986 : f32 to vector<2048x64xf32>
    %select_n3A_988 = arith.select %and3A_983, %broadcast_in_dim3A_987, %select_n3A_970 : vector<2048x64xi1>, vector<2048x64xf32>
    %reduce_max3A_989 = arith.constant dense<0xFF800000> : vector<2048xf32>
    %reduce_max3A_990 = vector.multi_reduction <maximumf>, %select_n3A_988, %reduce_max3A_989 [1] : vector<2048x64xf32> to vector<2048xf32>
    %broadcast_in_dim3A_991 = vector.shape_cast %reduce_max3A_990 : vector<2048xf32> to vector<2048x1xf32>
    %eq3A_992 = vector.broadcast %broadcast_in_dim3A_991 : vector<2048x1xf32> to vector<2048x64xf32>
    %eq3A_993 = arith.cmpf oeq, %select_n3A_988, %eq3A_992 : vector<2048x64xf32>
    %convert_element_type3A_994 = arith.extui %eq3A_993 : vector<2048x64xi1> to vector<2048x64xi32>
    %convert_element_type3A_995 = arith.sitofp %convert_element_type3A_994 : vector<2048x64xi32> to vector<2048x64xf32>
    %dot_general3A_996 = arith.constant dense<0.000000e+00> : vector<2048x64xf32>
    %dot_general3A_997 = tpu.matmul %convert_element_type3A_995, %convert_element_type3A_340, %dot_general3A_996 {dimension_numbers = #tpu.dot_dimension_numbers<[1], [0], [0], [1], [0, 0, 1, 1], [], []>, transpose_lhs_hint = false} : vector<2048x64xf32>, vector<64x64xf32>, vector<2048x64xf32> -> vector<2048x64xf32>
    %lt3A_998 = arith.constant 5.000000e-01 : f32
    %lt3A_999 = vector.broadcast %lt3A_998 : f32 to vector<2048x64xf32>
    %lt3A_1000 = arith.cmpf olt, %dot_general3A_997, %lt3A_999 : vector<2048x64xf32>
    %and3A_1001 = arith.andi %eq3A_993, %lt3A_1000 : vector<2048x64xi1>
    %convert_element_type3A_1002 = arith.extui %and3A_1001 : vector<2048x64xi1> to vector<2048x64xi32>
    %convert_element_type3A_1003 = arith.sitofp %convert_element_type3A_1002 : vector<2048x64xi32> to vector<2048x64xf32>
    %jit3A_1004 = arith.constant 0xFF800000 : f32
    %broadcast_in_dim3A_1005 = vector.broadcast %jit3A_1004 : f32 to vector<2048x64xf32>
    %select_n3A_1006 = arith.select %and3A_1001, %broadcast_in_dim3A_1005, %select_n3A_988 : vector<2048x64xi1>, vector<2048x64xf32>
    %reduce_max3A_1007 = arith.constant dense<0xFF800000> : vector<2048xf32>
    %reduce_max3A_1008 = vector.multi_reduction <maximumf>, %select_n3A_1006, %reduce_max3A_1007 [1] : vector<2048x64xf32> to vector<2048xf32>
    %broadcast_in_dim3A_1009 = vector.shape_cast %reduce_max3A_1008 : vector<2048xf32> to vector<2048x1xf32>
    %eq3A_1010 = vector.broadcast %broadcast_in_dim3A_1009 : vector<2048x1xf32> to vector<2048x64xf32>
    %eq3A_1011 = arith.cmpf oeq, %select_n3A_1006, %eq3A_1010 : vector<2048x64xf32>
    %convert_element_type3A_1012 = arith.extui %eq3A_1011 : vector<2048x64xi1> to vector<2048x64xi32>
    %convert_element_type3A_1013 = arith.sitofp %convert_element_type3A_1012 : vector<2048x64xi32> to vector<2048x64xf32>
    %dot_general3A_1014 = arith.constant dense<0.000000e+00> : vector<2048x64xf32>
    %dot_general3A_1015 = tpu.matmul %convert_element_type3A_1013, %convert_element_type3A_340, %dot_general3A_1014 {dimension_numbers = #tpu.dot_dimension_numbers<[1], [0], [0], [1], [0, 0, 1, 1], [], []>, transpose_lhs_hint = false} : vector<2048x64xf32>, vector<64x64xf32>, vector<2048x64xf32> -> vector<2048x64xf32>
    %lt3A_1016 = arith.constant 5.000000e-01 : f32
    %lt3A_1017 = vector.broadcast %lt3A_1016 : f32 to vector<2048x64xf32>
    %lt3A_1018 = arith.cmpf olt, %dot_general3A_1015, %lt3A_1017 : vector<2048x64xf32>
    %and3A_1019 = arith.andi %eq3A_1011, %lt3A_1018 : vector<2048x64xi1>
    %convert_element_type3A_1020 = arith.extui %and3A_1019 : vector<2048x64xi1> to vector<2048x64xi32>
    %convert_element_type3A_1021 = arith.sitofp %convert_element_type3A_1020 : vector<2048x64xi32> to vector<2048x64xf32>
    %jit3A_1022 = arith.constant 0xFF800000 : f32
    %broadcast_in_dim3A_1023 = vector.broadcast %jit3A_1022 : f32 to vector<2048x64xf32>
    %select_n3A_1024 = arith.select %and3A_1019, %broadcast_in_dim3A_1023, %select_n3A_1006 : vector<2048x64xi1>, vector<2048x64xf32>
    %reduce_max3A_1025 = arith.constant dense<0xFF800000> : vector<2048xf32>
    %reduce_max3A_1026 = vector.multi_reduction <maximumf>, %select_n3A_1024, %reduce_max3A_1025 [1] : vector<2048x64xf32> to vector<2048xf32>
    %broadcast_in_dim3A_1027 = vector.shape_cast %reduce_max3A_1026 : vector<2048xf32> to vector<2048x1xf32>
    %eq3A_1028 = vector.broadcast %broadcast_in_dim3A_1027 : vector<2048x1xf32> to vector<2048x64xf32>
    %eq3A_1029 = arith.cmpf oeq, %select_n3A_1024, %eq3A_1028 : vector<2048x64xf32>
    %convert_element_type3A_1030 = arith.extui %eq3A_1029 : vector<2048x64xi1> to vector<2048x64xi32>
    %convert_element_type3A_1031 = arith.sitofp %convert_element_type3A_1030 : vector<2048x64xi32> to vector<2048x64xf32>
    %dot_general3A_1032 = arith.constant dense<0.000000e+00> : vector<2048x64xf32>
    %dot_general3A_1033 = tpu.matmul %convert_element_type3A_1031, %convert_element_type3A_340, %dot_general3A_1032 {dimension_numbers = #tpu.dot_dimension_numbers<[1], [0], [0], [1], [0, 0, 1, 1], [], []>, transpose_lhs_hint = false} : vector<2048x64xf32>, vector<64x64xf32>, vector<2048x64xf32> -> vector<2048x64xf32>
    %lt3A_1034 = arith.constant 5.000000e-01 : f32
    %lt3A_1035 = vector.broadcast %lt3A_1034 : f32 to vector<2048x64xf32>
    %lt3A_1036 = arith.cmpf olt, %dot_general3A_1033, %lt3A_1035 : vector<2048x64xf32>
    %and3A_1037 = arith.andi %eq3A_1029, %lt3A_1036 : vector<2048x64xi1>
    %convert_element_type3A_1038 = arith.extui %and3A_1037 : vector<2048x64xi1> to vector<2048x64xi32>
    %convert_element_type3A_1039 = arith.sitofp %convert_element_type3A_1038 : vector<2048x64xi32> to vector<2048x64xf32>
    %jit3A_1040 = arith.constant 0xFF800000 : f32
    %broadcast_in_dim3A_1041 = vector.broadcast %jit3A_1040 : f32 to vector<2048x64xf32>
    %select_n3A_1042 = arith.select %and3A_1037, %broadcast_in_dim3A_1041, %select_n3A_1024 : vector<2048x64xi1>, vector<2048x64xf32>
    %reduce_max3A_1043 = arith.constant dense<0xFF800000> : vector<2048xf32>
    %reduce_max3A_1044 = vector.multi_reduction <maximumf>, %select_n3A_1042, %reduce_max3A_1043 [1] : vector<2048x64xf32> to vector<2048xf32>
    %broadcast_in_dim3A_1045 = vector.shape_cast %reduce_max3A_1044 : vector<2048xf32> to vector<2048x1xf32>
    %eq3A_1046 = vector.broadcast %broadcast_in_dim3A_1045 : vector<2048x1xf32> to vector<2048x64xf32>
    %eq3A_1047 = arith.cmpf oeq, %select_n3A_1042, %eq3A_1046 : vector<2048x64xf32>
    %convert_element_type3A_1048 = arith.extui %eq3A_1047 : vector<2048x64xi1> to vector<2048x64xi32>
    %convert_element_type3A_1049 = arith.sitofp %convert_element_type3A_1048 : vector<2048x64xi32> to vector<2048x64xf32>
    %dot_general3A_1050 = arith.constant dense<0.000000e+00> : vector<2048x64xf32>
    %dot_general3A_1051 = tpu.matmul %convert_element_type3A_1049, %convert_element_type3A_340, %dot_general3A_1050 {dimension_numbers = #tpu.dot_dimension_numbers<[1], [0], [0], [1], [0, 0, 1, 1], [], []>, transpose_lhs_hint = false} : vector<2048x64xf32>, vector<64x64xf32>, vector<2048x64xf32> -> vector<2048x64xf32>
    %lt3A_1052 = arith.constant 5.000000e-01 : f32
    %lt3A_1053 = vector.broadcast %lt3A_1052 : f32 to vector<2048x64xf32>
    %lt3A_1054 = arith.cmpf olt, %dot_general3A_1051, %lt3A_1053 : vector<2048x64xf32>
    %and3A_1055 = arith.andi %eq3A_1047, %lt3A_1054 : vector<2048x64xi1>
    %convert_element_type3A_1056 = arith.extui %and3A_1055 : vector<2048x64xi1> to vector<2048x64xi32>
    %convert_element_type3A_1057 = arith.sitofp %convert_element_type3A_1056 : vector<2048x64xi32> to vector<2048x64xf32>
    %dot_general3A_1058 = arith.constant dense<0.000000e+00> : vector<512x288xf32>
    %dot_general3A_1059 = tpu.matmul %concatenate3A_897, %get3A_797, %dot_general3A_1058 {dimension_numbers = #tpu.dot_dimension_numbers<[1], [0], [0], [1], [0, 0, 1, 1], [], []>, transpose_lhs_hint = false} : vector<512x64xf32>, vector<64x288xf32>, vector<512x288xf32> -> vector<512x288xf32>
    %slice3A_1060 = vector.extract_strided_slice %convert_element_type3A_913 {offsets = [0, 0], sizes = [256, 64], strides = [1, 1]} : vector<2048x64xf32> to vector<256x64xf32>
    %slice3A_1061 = vector.extract_strided_slice %convert_element_type3A_931 {offsets = [0, 0], sizes = [256, 64], strides = [1, 1]} : vector<2048x64xf32> to vector<256x64xf32>
    %slice3A_1062 = vector.extract_strided_slice %convert_element_type3A_949 {offsets = [0, 0], sizes = [256, 64], strides = [1, 1]} : vector<2048x64xf32> to vector<256x64xf32>
    %slice3A_1063 = vector.extract_strided_slice %convert_element_type3A_967 {offsets = [0, 0], sizes = [256, 64], strides = [1, 1]} : vector<2048x64xf32> to vector<256x64xf32>
    %slice3A_1064 = vector.extract_strided_slice %convert_element_type3A_985 {offsets = [0, 0], sizes = [256, 64], strides = [1, 1]} : vector<2048x64xf32> to vector<256x64xf32>
    %slice3A_1065 = vector.extract_strided_slice %convert_element_type3A_1003 {offsets = [0, 0], sizes = [256, 64], strides = [1, 1]} : vector<2048x64xf32> to vector<256x64xf32>
    %slice3A_1066 = vector.extract_strided_slice %convert_element_type3A_1021 {offsets = [0, 0], sizes = [256, 64], strides = [1, 1]} : vector<2048x64xf32> to vector<256x64xf32>
    %slice3A_1067 = vector.extract_strided_slice %convert_element_type3A_1039 {offsets = [0, 0], sizes = [256, 64], strides = [1, 1]} : vector<2048x64xf32> to vector<256x64xf32>
    %slice3A_1068 = vector.extract_strided_slice %convert_element_type3A_1057 {offsets = [0, 0], sizes = [256, 64], strides = [1, 1]} : vector<2048x64xf32> to vector<256x64xf32>
    %concatenate3A_1069 = tpu.concatenate %slice3A_1060, %slice3A_1061, %slice3A_1062, %slice3A_1063, %slice3A_1064, %slice3A_1065, %slice3A_1066, %slice3A_1067, %slice3A_1068 in 1 : vector<256x64xf32>, vector<256x64xf32>, vector<256x64xf32>, vector<256x64xf32>, vector<256x64xf32>, vector<256x64xf32>, vector<256x64xf32>, vector<256x64xf32>, vector<256x64xf32> -> vector<256x576xf32>
    %slice3A_1070 = vector.extract_strided_slice %dot_general3A_1059 {offsets = [0, 0], sizes = [64, 32], strides = [1, 1]} : vector<512x288xf32> to vector<64x32xf32>
    %slice3A_1071 = vector.extract_strided_slice %dot_general3A_1059 {offsets = [0, 32], sizes = [64, 32], strides = [1, 1]} : vector<512x288xf32> to vector<64x32xf32>
    %slice3A_1072 = vector.extract_strided_slice %dot_general3A_1059 {offsets = [0, 64], sizes = [64, 32], strides = [1, 1]} : vector<512x288xf32> to vector<64x32xf32>
    %slice3A_1073 = vector.extract_strided_slice %dot_general3A_1059 {offsets = [0, 96], sizes = [64, 32], strides = [1, 1]} : vector<512x288xf32> to vector<64x32xf32>
    %slice3A_1074 = vector.extract_strided_slice %dot_general3A_1059 {offsets = [0, 128], sizes = [64, 32], strides = [1, 1]} : vector<512x288xf32> to vector<64x32xf32>
    %slice3A_1075 = vector.extract_strided_slice %dot_general3A_1059 {offsets = [0, 160], sizes = [64, 32], strides = [1, 1]} : vector<512x288xf32> to vector<64x32xf32>
    %slice3A_1076 = vector.extract_strided_slice %dot_general3A_1059 {offsets = [0, 192], sizes = [64, 32], strides = [1, 1]} : vector<512x288xf32> to vector<64x32xf32>
    %slice3A_1077 = vector.extract_strided_slice %dot_general3A_1059 {offsets = [0, 224], sizes = [64, 32], strides = [1, 1]} : vector<512x288xf32> to vector<64x32xf32>
    %slice3A_1078 = vector.extract_strided_slice %dot_general3A_1059 {offsets = [0, 256], sizes = [64, 32], strides = [1, 1]} : vector<512x288xf32> to vector<64x32xf32>
    %concatenate3A_1079 = tpu.concatenate %slice3A_1070, %slice3A_1071, %slice3A_1072, %slice3A_1073, %slice3A_1074, %slice3A_1075, %slice3A_1076, %slice3A_1077, %slice3A_1078 in 0 : vector<64x32xf32>, vector<64x32xf32>, vector<64x32xf32>, vector<64x32xf32>, vector<64x32xf32>, vector<64x32xf32>, vector<64x32xf32>, vector<64x32xf32>, vector<64x32xf32> -> vector<576x32xf32>
    %dot_general3A_1080 = arith.constant dense<0.000000e+00> : vector<256x32xf32>
    %dot_general3A_1081 = tpu.matmul %concatenate3A_1069, %concatenate3A_1079, %dot_general3A_1080 {dimension_numbers = #tpu.dot_dimension_numbers<[1], [0], [0], [1], [0, 0, 1, 1], [], []>, precision = #tpu.contract_precision<fp32>, transpose_lhs_hint = false} : vector<256x576xf32>, vector<576x32xf32>, vector<256x32xf32> -> vector<256x32xf32>
    %slice3A_1082 = vector.extract_strided_slice %convert_element_type3A_913 {offsets = [256, 0], sizes = [256, 64], strides = [1, 1]} : vector<2048x64xf32> to vector<256x64xf32>
    %slice3A_1083 = vector.extract_strided_slice %convert_element_type3A_931 {offsets = [256, 0], sizes = [256, 64], strides = [1, 1]} : vector<2048x64xf32> to vector<256x64xf32>
    %slice3A_1084 = vector.extract_strided_slice %convert_element_type3A_949 {offsets = [256, 0], sizes = [256, 64], strides = [1, 1]} : vector<2048x64xf32> to vector<256x64xf32>
    %slice3A_1085 = vector.extract_strided_slice %convert_element_type3A_967 {offsets = [256, 0], sizes = [256, 64], strides = [1, 1]} : vector<2048x64xf32> to vector<256x64xf32>
    %slice3A_1086 = vector.extract_strided_slice %convert_element_type3A_985 {offsets = [256, 0], sizes = [256, 64], strides = [1, 1]} : vector<2048x64xf32> to vector<256x64xf32>
    %slice3A_1087 = vector.extract_strided_slice %convert_element_type3A_1003 {offsets = [256, 0], sizes = [256, 64], strides = [1, 1]} : vector<2048x64xf32> to vector<256x64xf32>
    %slice3A_1088 = vector.extract_strided_slice %convert_element_type3A_1021 {offsets = [256, 0], sizes = [256, 64], strides = [1, 1]} : vector<2048x64xf32> to vector<256x64xf32>
    %slice3A_1089 = vector.extract_strided_slice %convert_element_type3A_1039 {offsets = [256, 0], sizes = [256, 64], strides = [1, 1]} : vector<2048x64xf32> to vector<256x64xf32>
    %slice3A_1090 = vector.extract_strided_slice %convert_element_type3A_1057 {offsets = [256, 0], sizes = [256, 64], strides = [1, 1]} : vector<2048x64xf32> to vector<256x64xf32>
    %concatenate3A_1091 = tpu.concatenate %slice3A_1082, %slice3A_1083, %slice3A_1084, %slice3A_1085, %slice3A_1086, %slice3A_1087, %slice3A_1088, %slice3A_1089, %slice3A_1090 in 1 : vector<256x64xf32>, vector<256x64xf32>, vector<256x64xf32>, vector<256x64xf32>, vector<256x64xf32>, vector<256x64xf32>, vector<256x64xf32>, vector<256x64xf32>, vector<256x64xf32> -> vector<256x576xf32>
    %slice3A_1092 = vector.extract_strided_slice %dot_general3A_1059 {offsets = [64, 0], sizes = [64, 32], strides = [1, 1]} : vector<512x288xf32> to vector<64x32xf32>
    %slice3A_1093 = vector.extract_strided_slice %dot_general3A_1059 {offsets = [64, 32], sizes = [64, 32], strides = [1, 1]} : vector<512x288xf32> to vector<64x32xf32>
    %slice3A_1094 = vector.extract_strided_slice %dot_general3A_1059 {offsets = [64, 64], sizes = [64, 32], strides = [1, 1]} : vector<512x288xf32> to vector<64x32xf32>
    %slice3A_1095 = vector.extract_strided_slice %dot_general3A_1059 {offsets = [64, 96], sizes = [64, 32], strides = [1, 1]} : vector<512x288xf32> to vector<64x32xf32>
    %slice3A_1096 = vector.extract_strided_slice %dot_general3A_1059 {offsets = [64, 128], sizes = [64, 32], strides = [1, 1]} : vector<512x288xf32> to vector<64x32xf32>
    %slice3A_1097 = vector.extract_strided_slice %dot_general3A_1059 {offsets = [64, 160], sizes = [64, 32], strides = [1, 1]} : vector<512x288xf32> to vector<64x32xf32>
    %slice3A_1098 = vector.extract_strided_slice %dot_general3A_1059 {offsets = [64, 192], sizes = [64, 32], strides = [1, 1]} : vector<512x288xf32> to vector<64x32xf32>
    %slice3A_1099 = vector.extract_strided_slice %dot_general3A_1059 {offsets = [64, 224], sizes = [64, 32], strides = [1, 1]} : vector<512x288xf32> to vector<64x32xf32>
    %slice3A_1100 = vector.extract_strided_slice %dot_general3A_1059 {offsets = [64, 256], sizes = [64, 32], strides = [1, 1]} : vector<512x288xf32> to vector<64x32xf32>
    %concatenate3A_1101 = tpu.concatenate %slice3A_1092, %slice3A_1093, %slice3A_1094, %slice3A_1095, %slice3A_1096, %slice3A_1097, %slice3A_1098, %slice3A_1099, %slice3A_1100 in 0 : vector<64x32xf32>, vector<64x32xf32>, vector<64x32xf32>, vector<64x32xf32>, vector<64x32xf32>, vector<64x32xf32>, vector<64x32xf32>, vector<64x32xf32>, vector<64x32xf32> -> vector<576x32xf32>
    %dot_general3A_1102 = arith.constant dense<0.000000e+00> : vector<256x32xf32>
    %dot_general3A_1103 = tpu.matmul %concatenate3A_1091, %concatenate3A_1101, %dot_general3A_1102 {dimension_numbers = #tpu.dot_dimension_numbers<[1], [0], [0], [1], [0, 0, 1, 1], [], []>, precision = #tpu.contract_precision<fp32>, transpose_lhs_hint = false} : vector<256x576xf32>, vector<576x32xf32>, vector<256x32xf32> -> vector<256x32xf32>
    %slice3A_1104 = vector.extract_strided_slice %convert_element_type3A_913 {offsets = [512, 0], sizes = [256, 64], strides = [1, 1]} : vector<2048x64xf32> to vector<256x64xf32>
    %slice3A_1105 = vector.extract_strided_slice %convert_element_type3A_931 {offsets = [512, 0], sizes = [256, 64], strides = [1, 1]} : vector<2048x64xf32> to vector<256x64xf32>
    %slice3A_1106 = vector.extract_strided_slice %convert_element_type3A_949 {offsets = [512, 0], sizes = [256, 64], strides = [1, 1]} : vector<2048x64xf32> to vector<256x64xf32>
    %slice3A_1107 = vector.extract_strided_slice %convert_element_type3A_967 {offsets = [512, 0], sizes = [256, 64], strides = [1, 1]} : vector<2048x64xf32> to vector<256x64xf32>
    %slice3A_1108 = vector.extract_strided_slice %convert_element_type3A_985 {offsets = [512, 0], sizes = [256, 64], strides = [1, 1]} : vector<2048x64xf32> to vector<256x64xf32>
    %slice3A_1109 = vector.extract_strided_slice %convert_element_type3A_1003 {offsets = [512, 0], sizes = [256, 64], strides = [1, 1]} : vector<2048x64xf32> to vector<256x64xf32>
    %slice3A_1110 = vector.extract_strided_slice %convert_element_type3A_1021 {offsets = [512, 0], sizes = [256, 64], strides = [1, 1]} : vector<2048x64xf32> to vector<256x64xf32>
    %slice3A_1111 = vector.extract_strided_slice %convert_element_type3A_1039 {offsets = [512, 0], sizes = [256, 64], strides = [1, 1]} : vector<2048x64xf32> to vector<256x64xf32>
    %slice3A_1112 = vector.extract_strided_slice %convert_element_type3A_1057 {offsets = [512, 0], sizes = [256, 64], strides = [1, 1]} : vector<2048x64xf32> to vector<256x64xf32>
    %concatenate3A_1113 = tpu.concatenate %slice3A_1104, %slice3A_1105, %slice3A_1106, %slice3A_1107, %slice3A_1108, %slice3A_1109, %slice3A_1110, %slice3A_1111, %slice3A_1112 in 1 : vector<256x64xf32>, vector<256x64xf32>, vector<256x64xf32>, vector<256x64xf32>, vector<256x64xf32>, vector<256x64xf32>, vector<256x64xf32>, vector<256x64xf32>, vector<256x64xf32> -> vector<256x576xf32>
    %slice3A_1114 = vector.extract_strided_slice %dot_general3A_1059 {offsets = [128, 0], sizes = [64, 32], strides = [1, 1]} : vector<512x288xf32> to vector<64x32xf32>
    %slice3A_1115 = vector.extract_strided_slice %dot_general3A_1059 {offsets = [128, 32], sizes = [64, 32], strides = [1, 1]} : vector<512x288xf32> to vector<64x32xf32>
    %slice3A_1116 = vector.extract_strided_slice %dot_general3A_1059 {offsets = [128, 64], sizes = [64, 32], strides = [1, 1]} : vector<512x288xf32> to vector<64x32xf32>
    %slice3A_1117 = vector.extract_strided_slice %dot_general3A_1059 {offsets = [128, 96], sizes = [64, 32], strides = [1, 1]} : vector<512x288xf32> to vector<64x32xf32>
    %slice3A_1118 = vector.extract_strided_slice %dot_general3A_1059 {offsets = [128, 128], sizes = [64, 32], strides = [1, 1]} : vector<512x288xf32> to vector<64x32xf32>
    %slice3A_1119 = vector.extract_strided_slice %dot_general3A_1059 {offsets = [128, 160], sizes = [64, 32], strides = [1, 1]} : vector<512x288xf32> to vector<64x32xf32>
    %slice3A_1120 = vector.extract_strided_slice %dot_general3A_1059 {offsets = [128, 192], sizes = [64, 32], strides = [1, 1]} : vector<512x288xf32> to vector<64x32xf32>
    %slice3A_1121 = vector.extract_strided_slice %dot_general3A_1059 {offsets = [128, 224], sizes = [64, 32], strides = [1, 1]} : vector<512x288xf32> to vector<64x32xf32>
    %slice3A_1122 = vector.extract_strided_slice %dot_general3A_1059 {offsets = [128, 256], sizes = [64, 32], strides = [1, 1]} : vector<512x288xf32> to vector<64x32xf32>
    %concatenate3A_1123 = tpu.concatenate %slice3A_1114, %slice3A_1115, %slice3A_1116, %slice3A_1117, %slice3A_1118, %slice3A_1119, %slice3A_1120, %slice3A_1121, %slice3A_1122 in 0 : vector<64x32xf32>, vector<64x32xf32>, vector<64x32xf32>, vector<64x32xf32>, vector<64x32xf32>, vector<64x32xf32>, vector<64x32xf32>, vector<64x32xf32>, vector<64x32xf32> -> vector<576x32xf32>
    %dot_general3A_1124 = arith.constant dense<0.000000e+00> : vector<256x32xf32>
    %dot_general3A_1125 = tpu.matmul %concatenate3A_1113, %concatenate3A_1123, %dot_general3A_1124 {dimension_numbers = #tpu.dot_dimension_numbers<[1], [0], [0], [1], [0, 0, 1, 1], [], []>, precision = #tpu.contract_precision<fp32>, transpose_lhs_hint = false} : vector<256x576xf32>, vector<576x32xf32>, vector<256x32xf32> -> vector<256x32xf32>
    %slice3A_1126 = vector.extract_strided_slice %convert_element_type3A_913 {offsets = [768, 0], sizes = [256, 64], strides = [1, 1]} : vector<2048x64xf32> to vector<256x64xf32>
    %slice3A_1127 = vector.extract_strided_slice %convert_element_type3A_931 {offsets = [768, 0], sizes = [256, 64], strides = [1, 1]} : vector<2048x64xf32> to vector<256x64xf32>
    %slice3A_1128 = vector.extract_strided_slice %convert_element_type3A_949 {offsets = [768, 0], sizes = [256, 64], strides = [1, 1]} : vector<2048x64xf32> to vector<256x64xf32>
    %slice3A_1129 = vector.extract_strided_slice %convert_element_type3A_967 {offsets = [768, 0], sizes = [256, 64], strides = [1, 1]} : vector<2048x64xf32> to vector<256x64xf32>
    %slice3A_1130 = vector.extract_strided_slice %convert_element_type3A_985 {offsets = [768, 0], sizes = [256, 64], strides = [1, 1]} : vector<2048x64xf32> to vector<256x64xf32>
    %slice3A_1131 = vector.extract_strided_slice %convert_element_type3A_1003 {offsets = [768, 0], sizes = [256, 64], strides = [1, 1]} : vector<2048x64xf32> to vector<256x64xf32>
    %slice3A_1132 = vector.extract_strided_slice %convert_element_type3A_1021 {offsets = [768, 0], sizes = [256, 64], strides = [1, 1]} : vector<2048x64xf32> to vector<256x64xf32>
    %slice3A_1133 = vector.extract_strided_slice %convert_element_type3A_1039 {offsets = [768, 0], sizes = [256, 64], strides = [1, 1]} : vector<2048x64xf32> to vector<256x64xf32>
    %slice3A_1134 = vector.extract_strided_slice %convert_element_type3A_1057 {offsets = [768, 0], sizes = [256, 64], strides = [1, 1]} : vector<2048x64xf32> to vector<256x64xf32>
    %concatenate3A_1135 = tpu.concatenate %slice3A_1126, %slice3A_1127, %slice3A_1128, %slice3A_1129, %slice3A_1130, %slice3A_1131, %slice3A_1132, %slice3A_1133, %slice3A_1134 in 1 : vector<256x64xf32>, vector<256x64xf32>, vector<256x64xf32>, vector<256x64xf32>, vector<256x64xf32>, vector<256x64xf32>, vector<256x64xf32>, vector<256x64xf32>, vector<256x64xf32> -> vector<256x576xf32>
    %slice3A_1136 = vector.extract_strided_slice %dot_general3A_1059 {offsets = [192, 0], sizes = [64, 32], strides = [1, 1]} : vector<512x288xf32> to vector<64x32xf32>
    %slice3A_1137 = vector.extract_strided_slice %dot_general3A_1059 {offsets = [192, 32], sizes = [64, 32], strides = [1, 1]} : vector<512x288xf32> to vector<64x32xf32>
    %slice3A_1138 = vector.extract_strided_slice %dot_general3A_1059 {offsets = [192, 64], sizes = [64, 32], strides = [1, 1]} : vector<512x288xf32> to vector<64x32xf32>
    %slice3A_1139 = vector.extract_strided_slice %dot_general3A_1059 {offsets = [192, 96], sizes = [64, 32], strides = [1, 1]} : vector<512x288xf32> to vector<64x32xf32>
    %slice3A_1140 = vector.extract_strided_slice %dot_general3A_1059 {offsets = [192, 128], sizes = [64, 32], strides = [1, 1]} : vector<512x288xf32> to vector<64x32xf32>
    %slice3A_1141 = vector.extract_strided_slice %dot_general3A_1059 {offsets = [192, 160], sizes = [64, 32], strides = [1, 1]} : vector<512x288xf32> to vector<64x32xf32>
    %slice3A_1142 = vector.extract_strided_slice %dot_general3A_1059 {offsets = [192, 192], sizes = [64, 32], strides = [1, 1]} : vector<512x288xf32> to vector<64x32xf32>
    %slice3A_1143 = vector.extract_strided_slice %dot_general3A_1059 {offsets = [192, 224], sizes = [64, 32], strides = [1, 1]} : vector<512x288xf32> to vector<64x32xf32>
    %slice3A_1144 = vector.extract_strided_slice %dot_general3A_1059 {offsets = [192, 256], sizes = [64, 32], strides = [1, 1]} : vector<512x288xf32> to vector<64x32xf32>
    %concatenate3A_1145 = tpu.concatenate %slice3A_1136, %slice3A_1137, %slice3A_1138, %slice3A_1139, %slice3A_1140, %slice3A_1141, %slice3A_1142, %slice3A_1143, %slice3A_1144 in 0 : vector<64x32xf32>, vector<64x32xf32>, vector<64x32xf32>, vector<64x32xf32>, vector<64x32xf32>, vector<64x32xf32>, vector<64x32xf32>, vector<64x32xf32>, vector<64x32xf32> -> vector<576x32xf32>
    %dot_general3A_1146 = arith.constant dense<0.000000e+00> : vector<256x32xf32>
    %dot_general3A_1147 = tpu.matmul %concatenate3A_1135, %concatenate3A_1145, %dot_general3A_1146 {dimension_numbers = #tpu.dot_dimension_numbers<[1], [0], [0], [1], [0, 0, 1, 1], [], []>, precision = #tpu.contract_precision<fp32>, transpose_lhs_hint = false} : vector<256x576xf32>, vector<576x32xf32>, vector<256x32xf32> -> vector<256x32xf32>
    %slice3A_1148 = vector.extract_strided_slice %convert_element_type3A_913 {offsets = [1024, 0], sizes = [256, 64], strides = [1, 1]} : vector<2048x64xf32> to vector<256x64xf32>
    %slice3A_1149 = vector.extract_strided_slice %convert_element_type3A_931 {offsets = [1024, 0], sizes = [256, 64], strides = [1, 1]} : vector<2048x64xf32> to vector<256x64xf32>
    %slice3A_1150 = vector.extract_strided_slice %convert_element_type3A_949 {offsets = [1024, 0], sizes = [256, 64], strides = [1, 1]} : vector<2048x64xf32> to vector<256x64xf32>
    %slice3A_1151 = vector.extract_strided_slice %convert_element_type3A_967 {offsets = [1024, 0], sizes = [256, 64], strides = [1, 1]} : vector<2048x64xf32> to vector<256x64xf32>
    %slice3A_1152 = vector.extract_strided_slice %convert_element_type3A_985 {offsets = [1024, 0], sizes = [256, 64], strides = [1, 1]} : vector<2048x64xf32> to vector<256x64xf32>
    %slice3A_1153 = vector.extract_strided_slice %convert_element_type3A_1003 {offsets = [1024, 0], sizes = [256, 64], strides = [1, 1]} : vector<2048x64xf32> to vector<256x64xf32>
    %slice3A_1154 = vector.extract_strided_slice %convert_element_type3A_1021 {offsets = [1024, 0], sizes = [256, 64], strides = [1, 1]} : vector<2048x64xf32> to vector<256x64xf32>
    %slice3A_1155 = vector.extract_strided_slice %convert_element_type3A_1039 {offsets = [1024, 0], sizes = [256, 64], strides = [1, 1]} : vector<2048x64xf32> to vector<256x64xf32>
    %slice3A_1156 = vector.extract_strided_slice %convert_element_type3A_1057 {offsets = [1024, 0], sizes = [256, 64], strides = [1, 1]} : vector<2048x64xf32> to vector<256x64xf32>
    %concatenate3A_1157 = tpu.concatenate %slice3A_1148, %slice3A_1149, %slice3A_1150, %slice3A_1151, %slice3A_1152, %slice3A_1153, %slice3A_1154, %slice3A_1155, %slice3A_1156 in 1 : vector<256x64xf32>, vector<256x64xf32>, vector<256x64xf32>, vector<256x64xf32>, vector<256x64xf32>, vector<256x64xf32>, vector<256x64xf32>, vector<256x64xf32>, vector<256x64xf32> -> vector<256x576xf32>
    %slice3A_1158 = vector.extract_strided_slice %dot_general3A_1059 {offsets = [256, 0], sizes = [64, 32], strides = [1, 1]} : vector<512x288xf32> to vector<64x32xf32>
    %slice3A_1159 = vector.extract_strided_slice %dot_general3A_1059 {offsets = [256, 32], sizes = [64, 32], strides = [1, 1]} : vector<512x288xf32> to vector<64x32xf32>
    %slice3A_1160 = vector.extract_strided_slice %dot_general3A_1059 {offsets = [256, 64], sizes = [64, 32], strides = [1, 1]} : vector<512x288xf32> to vector<64x32xf32>
    %slice3A_1161 = vector.extract_strided_slice %dot_general3A_1059 {offsets = [256, 96], sizes = [64, 32], strides = [1, 1]} : vector<512x288xf32> to vector<64x32xf32>
    %slice3A_1162 = vector.extract_strided_slice %dot_general3A_1059 {offsets = [256, 128], sizes = [64, 32], strides = [1, 1]} : vector<512x288xf32> to vector<64x32xf32>
    %slice3A_1163 = vector.extract_strided_slice %dot_general3A_1059 {offsets = [256, 160], sizes = [64, 32], strides = [1, 1]} : vector<512x288xf32> to vector<64x32xf32>
    %slice3A_1164 = vector.extract_strided_slice %dot_general3A_1059 {offsets = [256, 192], sizes = [64, 32], strides = [1, 1]} : vector<512x288xf32> to vector<64x32xf32>
    %slice3A_1165 = vector.extract_strided_slice %dot_general3A_1059 {offsets = [256, 224], sizes = [64, 32], strides = [1, 1]} : vector<512x288xf32> to vector<64x32xf32>
    %slice3A_1166 = vector.extract_strided_slice %dot_general3A_1059 {offsets = [256, 256], sizes = [64, 32], strides = [1, 1]} : vector<512x288xf32> to vector<64x32xf32>
    %concatenate3A_1167 = tpu.concatenate %slice3A_1158, %slice3A_1159, %slice3A_1160, %slice3A_1161, %slice3A_1162, %slice3A_1163, %slice3A_1164, %slice3A_1165, %slice3A_1166 in 0 : vector<64x32xf32>, vector<64x32xf32>, vector<64x32xf32>, vector<64x32xf32>, vector<64x32xf32>, vector<64x32xf32>, vector<64x32xf32>, vector<64x32xf32>, vector<64x32xf32> -> vector<576x32xf32>
    %dot_general3A_1168 = arith.constant dense<0.000000e+00> : vector<256x32xf32>
    %dot_general3A_1169 = tpu.matmul %concatenate3A_1157, %concatenate3A_1167, %dot_general3A_1168 {dimension_numbers = #tpu.dot_dimension_numbers<[1], [0], [0], [1], [0, 0, 1, 1], [], []>, precision = #tpu.contract_precision<fp32>, transpose_lhs_hint = false} : vector<256x576xf32>, vector<576x32xf32>, vector<256x32xf32> -> vector<256x32xf32>
    %slice3A_1170 = vector.extract_strided_slice %convert_element_type3A_913 {offsets = [1280, 0], sizes = [256, 64], strides = [1, 1]} : vector<2048x64xf32> to vector<256x64xf32>
    %slice3A_1171 = vector.extract_strided_slice %convert_element_type3A_931 {offsets = [1280, 0], sizes = [256, 64], strides = [1, 1]} : vector<2048x64xf32> to vector<256x64xf32>
    %slice3A_1172 = vector.extract_strided_slice %convert_element_type3A_949 {offsets = [1280, 0], sizes = [256, 64], strides = [1, 1]} : vector<2048x64xf32> to vector<256x64xf32>
    %slice3A_1173 = vector.extract_strided_slice %convert_element_type3A_967 {offsets = [1280, 0], sizes = [256, 64], strides = [1, 1]} : vector<2048x64xf32> to vector<256x64xf32>
    %slice3A_1174 = vector.extract_strided_slice %convert_element_type3A_985 {offsets = [1280, 0], sizes = [256, 64], strides = [1, 1]} : vector<2048x64xf32> to vector<256x64xf32>
    %slice3A_1175 = vector.extract_strided_slice %convert_element_type3A_1003 {offsets = [1280, 0], sizes = [256, 64], strides = [1, 1]} : vector<2048x64xf32> to vector<256x64xf32>
    %slice3A_1176 = vector.extract_strided_slice %convert_element_type3A_1021 {offsets = [1280, 0], sizes = [256, 64], strides = [1, 1]} : vector<2048x64xf32> to vector<256x64xf32>
    %slice3A_1177 = vector.extract_strided_slice %convert_element_type3A_1039 {offsets = [1280, 0], sizes = [256, 64], strides = [1, 1]} : vector<2048x64xf32> to vector<256x64xf32>
    %slice3A_1178 = vector.extract_strided_slice %convert_element_type3A_1057 {offsets = [1280, 0], sizes = [256, 64], strides = [1, 1]} : vector<2048x64xf32> to vector<256x64xf32>
    %concatenate3A_1179 = tpu.concatenate %slice3A_1170, %slice3A_1171, %slice3A_1172, %slice3A_1173, %slice3A_1174, %slice3A_1175, %slice3A_1176, %slice3A_1177, %slice3A_1178 in 1 : vector<256x64xf32>, vector<256x64xf32>, vector<256x64xf32>, vector<256x64xf32>, vector<256x64xf32>, vector<256x64xf32>, vector<256x64xf32>, vector<256x64xf32>, vector<256x64xf32> -> vector<256x576xf32>
    %slice3A_1180 = vector.extract_strided_slice %dot_general3A_1059 {offsets = [320, 0], sizes = [64, 32], strides = [1, 1]} : vector<512x288xf32> to vector<64x32xf32>
    %slice3A_1181 = vector.extract_strided_slice %dot_general3A_1059 {offsets = [320, 32], sizes = [64, 32], strides = [1, 1]} : vector<512x288xf32> to vector<64x32xf32>
    %slice3A_1182 = vector.extract_strided_slice %dot_general3A_1059 {offsets = [320, 64], sizes = [64, 32], strides = [1, 1]} : vector<512x288xf32> to vector<64x32xf32>
    %slice3A_1183 = vector.extract_strided_slice %dot_general3A_1059 {offsets = [320, 96], sizes = [64, 32], strides = [1, 1]} : vector<512x288xf32> to vector<64x32xf32>
    %slice3A_1184 = vector.extract_strided_slice %dot_general3A_1059 {offsets = [320, 128], sizes = [64, 32], strides = [1, 1]} : vector<512x288xf32> to vector<64x32xf32>
    %slice3A_1185 = vector.extract_strided_slice %dot_general3A_1059 {offsets = [320, 160], sizes = [64, 32], strides = [1, 1]} : vector<512x288xf32> to vector<64x32xf32>
    %slice3A_1186 = vector.extract_strided_slice %dot_general3A_1059 {offsets = [320, 192], sizes = [64, 32], strides = [1, 1]} : vector<512x288xf32> to vector<64x32xf32>
    %slice3A_1187 = vector.extract_strided_slice %dot_general3A_1059 {offsets = [320, 224], sizes = [64, 32], strides = [1, 1]} : vector<512x288xf32> to vector<64x32xf32>
    %slice3A_1188 = vector.extract_strided_slice %dot_general3A_1059 {offsets = [320, 256], sizes = [64, 32], strides = [1, 1]} : vector<512x288xf32> to vector<64x32xf32>
    %concatenate3A_1189 = tpu.concatenate %slice3A_1180, %slice3A_1181, %slice3A_1182, %slice3A_1183, %slice3A_1184, %slice3A_1185, %slice3A_1186, %slice3A_1187, %slice3A_1188 in 0 : vector<64x32xf32>, vector<64x32xf32>, vector<64x32xf32>, vector<64x32xf32>, vector<64x32xf32>, vector<64x32xf32>, vector<64x32xf32>, vector<64x32xf32>, vector<64x32xf32> -> vector<576x32xf32>
    %dot_general3A_1190 = arith.constant dense<0.000000e+00> : vector<256x32xf32>
    %dot_general3A_1191 = tpu.matmul %concatenate3A_1179, %concatenate3A_1189, %dot_general3A_1190 {dimension_numbers = #tpu.dot_dimension_numbers<[1], [0], [0], [1], [0, 0, 1, 1], [], []>, precision = #tpu.contract_precision<fp32>, transpose_lhs_hint = false} : vector<256x576xf32>, vector<576x32xf32>, vector<256x32xf32> -> vector<256x32xf32>
    %slice3A_1192 = vector.extract_strided_slice %convert_element_type3A_913 {offsets = [1536, 0], sizes = [256, 64], strides = [1, 1]} : vector<2048x64xf32> to vector<256x64xf32>
    %slice3A_1193 = vector.extract_strided_slice %convert_element_type3A_931 {offsets = [1536, 0], sizes = [256, 64], strides = [1, 1]} : vector<2048x64xf32> to vector<256x64xf32>
    %slice3A_1194 = vector.extract_strided_slice %convert_element_type3A_949 {offsets = [1536, 0], sizes = [256, 64], strides = [1, 1]} : vector<2048x64xf32> to vector<256x64xf32>
    %slice3A_1195 = vector.extract_strided_slice %convert_element_type3A_967 {offsets = [1536, 0], sizes = [256, 64], strides = [1, 1]} : vector<2048x64xf32> to vector<256x64xf32>
    %slice3A_1196 = vector.extract_strided_slice %convert_element_type3A_985 {offsets = [1536, 0], sizes = [256, 64], strides = [1, 1]} : vector<2048x64xf32> to vector<256x64xf32>
    %slice3A_1197 = vector.extract_strided_slice %convert_element_type3A_1003 {offsets = [1536, 0], sizes = [256, 64], strides = [1, 1]} : vector<2048x64xf32> to vector<256x64xf32>
    %slice3A_1198 = vector.extract_strided_slice %convert_element_type3A_1021 {offsets = [1536, 0], sizes = [256, 64], strides = [1, 1]} : vector<2048x64xf32> to vector<256x64xf32>
    %slice3A_1199 = vector.extract_strided_slice %convert_element_type3A_1039 {offsets = [1536, 0], sizes = [256, 64], strides = [1, 1]} : vector<2048x64xf32> to vector<256x64xf32>
    %slice3A_1200 = vector.extract_strided_slice %convert_element_type3A_1057 {offsets = [1536, 0], sizes = [256, 64], strides = [1, 1]} : vector<2048x64xf32> to vector<256x64xf32>
    %concatenate3A_1201 = tpu.concatenate %slice3A_1192, %slice3A_1193, %slice3A_1194, %slice3A_1195, %slice3A_1196, %slice3A_1197, %slice3A_1198, %slice3A_1199, %slice3A_1200 in 1 : vector<256x64xf32>, vector<256x64xf32>, vector<256x64xf32>, vector<256x64xf32>, vector<256x64xf32>, vector<256x64xf32>, vector<256x64xf32>, vector<256x64xf32>, vector<256x64xf32> -> vector<256x576xf32>
    %slice3A_1202 = vector.extract_strided_slice %dot_general3A_1059 {offsets = [384, 0], sizes = [64, 32], strides = [1, 1]} : vector<512x288xf32> to vector<64x32xf32>
    %slice3A_1203 = vector.extract_strided_slice %dot_general3A_1059 {offsets = [384, 32], sizes = [64, 32], strides = [1, 1]} : vector<512x288xf32> to vector<64x32xf32>
    %slice3A_1204 = vector.extract_strided_slice %dot_general3A_1059 {offsets = [384, 64], sizes = [64, 32], strides = [1, 1]} : vector<512x288xf32> to vector<64x32xf32>
    %slice3A_1205 = vector.extract_strided_slice %dot_general3A_1059 {offsets = [384, 96], sizes = [64, 32], strides = [1, 1]} : vector<512x288xf32> to vector<64x32xf32>
    %slice3A_1206 = vector.extract_strided_slice %dot_general3A_1059 {offsets = [384, 128], sizes = [64, 32], strides = [1, 1]} : vector<512x288xf32> to vector<64x32xf32>
    %slice3A_1207 = vector.extract_strided_slice %dot_general3A_1059 {offsets = [384, 160], sizes = [64, 32], strides = [1, 1]} : vector<512x288xf32> to vector<64x32xf32>
    %slice3A_1208 = vector.extract_strided_slice %dot_general3A_1059 {offsets = [384, 192], sizes = [64, 32], strides = [1, 1]} : vector<512x288xf32> to vector<64x32xf32>
    %slice3A_1209 = vector.extract_strided_slice %dot_general3A_1059 {offsets = [384, 224], sizes = [64, 32], strides = [1, 1]} : vector<512x288xf32> to vector<64x32xf32>
    %slice3A_1210 = vector.extract_strided_slice %dot_general3A_1059 {offsets = [384, 256], sizes = [64, 32], strides = [1, 1]} : vector<512x288xf32> to vector<64x32xf32>
    %concatenate3A_1211 = tpu.concatenate %slice3A_1202, %slice3A_1203, %slice3A_1204, %slice3A_1205, %slice3A_1206, %slice3A_1207, %slice3A_1208, %slice3A_1209, %slice3A_1210 in 0 : vector<64x32xf32>, vector<64x32xf32>, vector<64x32xf32>, vector<64x32xf32>, vector<64x32xf32>, vector<64x32xf32>, vector<64x32xf32>, vector<64x32xf32>, vector<64x32xf32> -> vector<576x32xf32>
    %dot_general3A_1212 = arith.constant dense<0.000000e+00> : vector<256x32xf32>
    %dot_general3A_1213 = tpu.matmul %concatenate3A_1201, %concatenate3A_1211, %dot_general3A_1212 {dimension_numbers = #tpu.dot_dimension_numbers<[1], [0], [0], [1], [0, 0, 1, 1], [], []>, precision = #tpu.contract_precision<fp32>, transpose_lhs_hint = false} : vector<256x576xf32>, vector<576x32xf32>, vector<256x32xf32> -> vector<256x32xf32>
    %slice3A_1214 = vector.extract_strided_slice %convert_element_type3A_913 {offsets = [1792, 0], sizes = [256, 64], strides = [1, 1]} : vector<2048x64xf32> to vector<256x64xf32>
    %slice3A_1215 = vector.extract_strided_slice %convert_element_type3A_931 {offsets = [1792, 0], sizes = [256, 64], strides = [1, 1]} : vector<2048x64xf32> to vector<256x64xf32>
    %slice3A_1216 = vector.extract_strided_slice %convert_element_type3A_949 {offsets = [1792, 0], sizes = [256, 64], strides = [1, 1]} : vector<2048x64xf32> to vector<256x64xf32>
    %slice3A_1217 = vector.extract_strided_slice %convert_element_type3A_967 {offsets = [1792, 0], sizes = [256, 64], strides = [1, 1]} : vector<2048x64xf32> to vector<256x64xf32>
    %slice3A_1218 = vector.extract_strided_slice %convert_element_type3A_985 {offsets = [1792, 0], sizes = [256, 64], strides = [1, 1]} : vector<2048x64xf32> to vector<256x64xf32>
    %slice3A_1219 = vector.extract_strided_slice %convert_element_type3A_1003 {offsets = [1792, 0], sizes = [256, 64], strides = [1, 1]} : vector<2048x64xf32> to vector<256x64xf32>
    %slice3A_1220 = vector.extract_strided_slice %convert_element_type3A_1021 {offsets = [1792, 0], sizes = [256, 64], strides = [1, 1]} : vector<2048x64xf32> to vector<256x64xf32>
    %slice3A_1221 = vector.extract_strided_slice %convert_element_type3A_1039 {offsets = [1792, 0], sizes = [256, 64], strides = [1, 1]} : vector<2048x64xf32> to vector<256x64xf32>
    %slice3A_1222 = vector.extract_strided_slice %convert_element_type3A_1057 {offsets = [1792, 0], sizes = [256, 64], strides = [1, 1]} : vector<2048x64xf32> to vector<256x64xf32>
    %concatenate3A_1223 = tpu.concatenate %slice3A_1214, %slice3A_1215, %slice3A_1216, %slice3A_1217, %slice3A_1218, %slice3A_1219, %slice3A_1220, %slice3A_1221, %slice3A_1222 in 1 : vector<256x64xf32>, vector<256x64xf32>, vector<256x64xf32>, vector<256x64xf32>, vector<256x64xf32>, vector<256x64xf32>, vector<256x64xf32>, vector<256x64xf32>, vector<256x64xf32> -> vector<256x576xf32>
    %slice3A_1224 = vector.extract_strided_slice %dot_general3A_1059 {offsets = [448, 0], sizes = [64, 32], strides = [1, 1]} : vector<512x288xf32> to vector<64x32xf32>
    %slice3A_1225 = vector.extract_strided_slice %dot_general3A_1059 {offsets = [448, 32], sizes = [64, 32], strides = [1, 1]} : vector<512x288xf32> to vector<64x32xf32>
    %slice3A_1226 = vector.extract_strided_slice %dot_general3A_1059 {offsets = [448, 64], sizes = [64, 32], strides = [1, 1]} : vector<512x288xf32> to vector<64x32xf32>
    %slice3A_1227 = vector.extract_strided_slice %dot_general3A_1059 {offsets = [448, 96], sizes = [64, 32], strides = [1, 1]} : vector<512x288xf32> to vector<64x32xf32>
    %slice3A_1228 = vector.extract_strided_slice %dot_general3A_1059 {offsets = [448, 128], sizes = [64, 32], strides = [1, 1]} : vector<512x288xf32> to vector<64x32xf32>
    %slice3A_1229 = vector.extract_strided_slice %dot_general3A_1059 {offsets = [448, 160], sizes = [64, 32], strides = [1, 1]} : vector<512x288xf32> to vector<64x32xf32>
    %slice3A_1230 = vector.extract_strided_slice %dot_general3A_1059 {offsets = [448, 192], sizes = [64, 32], strides = [1, 1]} : vector<512x288xf32> to vector<64x32xf32>
    %slice3A_1231 = vector.extract_strided_slice %dot_general3A_1059 {offsets = [448, 224], sizes = [64, 32], strides = [1, 1]} : vector<512x288xf32> to vector<64x32xf32>
    %slice3A_1232 = vector.extract_strided_slice %dot_general3A_1059 {offsets = [448, 256], sizes = [64, 32], strides = [1, 1]} : vector<512x288xf32> to vector<64x32xf32>
    %concatenate3A_1233 = tpu.concatenate %slice3A_1224, %slice3A_1225, %slice3A_1226, %slice3A_1227, %slice3A_1228, %slice3A_1229, %slice3A_1230, %slice3A_1231, %slice3A_1232 in 0 : vector<64x32xf32>, vector<64x32xf32>, vector<64x32xf32>, vector<64x32xf32>, vector<64x32xf32>, vector<64x32xf32>, vector<64x32xf32>, vector<64x32xf32>, vector<64x32xf32> -> vector<576x32xf32>
    %dot_general3A_1234 = arith.constant dense<0.000000e+00> : vector<256x32xf32>
    %dot_general3A_1235 = tpu.matmul %concatenate3A_1223, %concatenate3A_1233, %dot_general3A_1234 {dimension_numbers = #tpu.dot_dimension_numbers<[1], [0], [0], [1], [0, 0, 1, 1], [], []>, precision = #tpu.contract_precision<fp32>, transpose_lhs_hint = false} : vector<256x576xf32>, vector<576x32xf32>, vector<256x32xf32> -> vector<256x32xf32>
    %concatenate3A_1236 = tpu.concatenate %dot_general3A_1081, %dot_general3A_1103, %dot_general3A_1125, %dot_general3A_1147, %dot_general3A_1169, %dot_general3A_1191, %dot_general3A_1213, %dot_general3A_1235 in 0 : vector<256x32xf32>, vector<256x32xf32>, vector<256x32xf32>, vector<256x32xf32>, vector<256x32xf32>, vector<256x32xf32>, vector<256x32xf32>, vector<256x32xf32> -> vector<2048x32xf32>
    %add3A_1237 = vector.broadcast %get3A_806 : vector<1x32xf32> to vector<2048x32xf32>
    %add3A_1238 = arith.addf %concatenate3A_1236, %add3A_1237 : vector<2048x32xf32>
    %concatenate3A_1239 = tpu.concatenate %add3A_856, %add3A_1238 in 1 : vector<2048x32xf32>, vector<2048x32xf32> -> vector<2048x64xf32>
    %dot_general3A_1240 = arith.constant dense<0.000000e+00> : vector<2048x128xf32>
    %dot_general3A_1241 = tpu.matmul %concatenate3A_1239, %get3A_800, %dot_general3A_1240 {dimension_numbers = #tpu.dot_dimension_numbers<[1], [0], [0], [1], [0, 0, 1, 1], [], []>, transpose_lhs_hint = false} : vector<2048x64xf32>, vector<64x128xf32>, vector<2048x128xf32> -> vector<2048x128xf32>
    %add3A_1242 = vector.broadcast %get3A_809 : vector<1x128xf32> to vector<2048x128xf32>
    %add3A_1243 = arith.addf %dot_general3A_1241, %add3A_1242 : vector<2048x128xf32>
    %max3A_1244 = arith.constant 0.000000e+00 : f32
    %max3A_1245 = vector.broadcast %max3A_1244 : f32 to vector<2048x128xf32>
    %max3A_1246 = arith.maximumf %add3A_1243, %max3A_1245 : vector<2048x128xf32>
    %swap3A = arith.constant 0 : index
    %swap3A_1247 = arith.constant 0 : index
    %swap3A_1248 = vector.load %arg16[%swap3A, %swap3A_1247] : memref<2048x128xf32, #tpu.memory_space<vmem>>, vector<2048x128xf32>
    tpu.vector_store %arg16[%swap3A, %swap3A_1247], %max3A_1246 {strides = array<i32>} : memref<2048x128xf32, #tpu.memory_space<vmem>>, vector<2048x128xf32>,
    return
  }
  func.func @transform_0(%arg0: i32) -> (i32, i32) {
    %c0_i32 = arith.constant 0 : i32
    %c0_i32_0 = arith.constant 0 : i32
    return %arg0, %c0_i32 : i32, i32
  }
  func.func @transform_1(%arg0: i32) -> (i32, i32) {
    %c0_i32 = arith.constant 0 : i32
    %c0_i32_0 = arith.constant 0 : i32
    %c0_i32_1 = arith.constant 0 : i32
    return %c0_i32, %c0_i32_0 : i32, i32
  }
  func.func @transform_2(%arg0: i32) -> (i32, i32) {
    %c0_i32 = arith.constant 0 : i32
    %c0_i32_0 = arith.constant 0 : i32
    %c0_i32_1 = arith.constant 0 : i32
    return %c0_i32, %c0_i32_0 : i32, i32
  }
  func.func @transform_3(%arg0: i32) -> (i32, i32) {
    %c0_i32 = arith.constant 0 : i32
    %c0_i32_0 = arith.constant 0 : i32
    %c0_i32_1 = arith.constant 0 : i32
    return %c0_i32, %c0_i32_0 : i32, i32
  }
  func.func @transform_4(%arg0: i32) -> (i32, i32) {
    %c0_i32 = arith.constant 0 : i32
    %c0_i32_0 = arith.constant 0 : i32
    %c0_i32_1 = arith.constant 0 : i32
    return %c0_i32, %c0_i32_0 : i32, i32
  }
  func.func @transform_5(%arg0: i32) -> (i32, i32) {
    %c0_i32 = arith.constant 0 : i32
    %c0_i32_0 = arith.constant 0 : i32
    %c0_i32_1 = arith.constant 0 : i32
    return %c0_i32, %c0_i32_0 : i32, i32
  }
  func.func @transform_6(%arg0: i32) -> (i32, i32) {
    %c0_i32 = arith.constant 0 : i32
    %c0_i32_0 = arith.constant 0 : i32
    %c0_i32_1 = arith.constant 0 : i32
    return %c0_i32, %c0_i32_0 : i32, i32
  }
  func.func @transform_7(%arg0: i32) -> (i32, i32) {
    %c0_i32 = arith.constant 0 : i32
    %c0_i32_0 = arith.constant 0 : i32
    %c0_i32_1 = arith.constant 0 : i32
    return %c0_i32, %c0_i32_0 : i32, i32
  }
  func.func @transform_8(%arg0: i32) -> (i32, i32) {
    %c0_i32 = arith.constant 0 : i32
    %c0_i32_0 = arith.constant 0 : i32
    %c0_i32_1 = arith.constant 0 : i32
    return %c0_i32, %c0_i32_0 : i32, i32
  }
  func.func @transform_9(%arg0: i32) -> (i32, i32) {
    %c0_i32 = arith.constant 0 : i32
    %c0_i32_0 = arith.constant 0 : i32
    %c0_i32_1 = arith.constant 0 : i32
    return %c0_i32, %c0_i32_0 : i32, i32
  }
  func.func @transform_10(%arg0: i32) -> (i32, i32) {
    %c0_i32 = arith.constant 0 : i32
    %c0_i32_0 = arith.constant 0 : i32
    %c0_i32_1 = arith.constant 0 : i32
    return %c0_i32, %c0_i32_0 : i32, i32
  }
  func.func @transform_11(%arg0: i32) -> (i32, i32) {
    %c0_i32 = arith.constant 0 : i32
    %c0_i32_0 = arith.constant 0 : i32
    %c0_i32_1 = arith.constant 0 : i32
    return %c0_i32, %c0_i32_0 : i32, i32
  }
  func.func @transform_12(%arg0: i32) -> (i32, i32) {
    %c0_i32 = arith.constant 0 : i32
    %c0_i32_0 = arith.constant 0 : i32
    %c0_i32_1 = arith.constant 0 : i32
    return %c0_i32, %c0_i32_0 : i32, i32
  }
  func.func @transform_13(%arg0: i32) -> (i32, i32) {
    %c0_i32 = arith.constant 0 : i32
    %c0_i32_0 = arith.constant 0 : i32
    %c0_i32_1 = arith.constant 0 : i32
    return %c0_i32, %c0_i32_0 : i32, i32
  }
  func.func @transform_14(%arg0: i32) -> (i32, i32) {
    %c0_i32 = arith.constant 0 : i32
    %c0_i32_0 = arith.constant 0 : i32
    %c0_i32_1 = arith.constant 0 : i32
    return %c0_i32, %c0_i32_0 : i32, i32
  }
  func.func @transform_15(%arg0: i32) -> (i32, i32) {
    %c0_i32 = arith.constant 0 : i32
    %c0_i32_0 = arith.constant 0 : i32
    return %arg0, %c0_i32 : i32, i32
  }
}

module attributes {stable_mosaic.version = 14 : i64} {
  func.func @_fc1_kernel(%arg0: i32, %arg1: i32, %arg2: memref<256x2048xf32, #tpu.memory_space<vmem>>, %arg3: memref<2048x512xf32, #tpu.memory_space<vmem>>, %arg4: memref<1x512xf32, #tpu.memory_space<vmem>>, %arg5: memref<256x512xf32, #tpu.memory_space<vmem>>, %arg6: memref<256x512xf32, #tpu.memory_space<vmem>>) attributes {dimension_semantics = [#tpu.dimension_semantics<parallel>, #tpu.dimension_semantics<arbitrary>], iteration_bounds = array<i64: 2, 16>, scalar_prefetch = 0 : i64, scratch_operands = 1 : i64, tpu.core_type = #tpu.core_type<tc>, window_params = [{transform_indices = @transform_0, window_bounds = array<i64: 256, 2048>}, {transform_indices = @transform_1, window_bounds = array<i64: 2048, 512>}, {transform_indices = @transform_2, window_bounds = array<i64: 1, 512>}, {transform_indices = @transform_3, window_bounds = array<i64: 256, 512>}]} {
    %eq3A = arith.constant 0 : i32
    %eq3A_0 = arith.cmpi eq, %arg1, %eq3A : i32
    %convert_element_type3A = arith.extui %eq3A_0 : i1 to i32
    %cond3A = arith.constant 0 : i32
    %cond3A_1 = arith.cmpi ne, %convert_element_type3A, %cond3A : i32
    scf.if %cond3A_1 {
      %broadcast_in_dim3A = arith.constant 0.000000e+00 : f32
      %broadcast_in_dim3A_18 = vector.broadcast %broadcast_in_dim3A : f32 to vector<256x512xf32>
      %swap3A_19 = arith.constant 0 : index
      %swap3A_20 = arith.constant 0 : index
      %swap3A_21 = vector.load %arg6[%swap3A_19, %swap3A_20] : memref<256x512xf32, #tpu.memory_space<vmem>>, vector<256x512xf32>
      tpu.vector_store %arg6[%swap3A_19, %swap3A_20], %broadcast_in_dim3A_18 {strides = array<i32>} : memref<256x512xf32, #tpu.memory_space<vmem>>, vector<256x512xf32>,
    } else {
    }
    %get3A = arith.constant 0 : index
    %get3A_2 = arith.constant 0 : index
    %get3A_3 = vector.load %arg6[%get3A, %get3A_2] : memref<256x512xf32, #tpu.memory_space<vmem>>, vector<256x512xf32>
    %get3A_4 = arith.constant 0 : index
    %get3A_5 = arith.constant 0 : index
    %get3A_6 = vector.load %arg2[%get3A_4, %get3A_5] : memref<256x2048xf32, #tpu.memory_space<vmem>>, vector<256x2048xf32>
    %get3A_7 = arith.constant 0 : index
    %get3A_8 = arith.constant 0 : index
    %get3A_9 = vector.load %arg3[%get3A_7, %get3A_8] : memref<2048x512xf32, #tpu.memory_space<vmem>>, vector<2048x512xf32>
    %dot_general3A = arith.constant dense<0.000000e+00> : vector<256x512xf32>
    %dot_general3A_10 = tpu.matmul %get3A_6, %get3A_9, %dot_general3A {dimension_numbers = #tpu.dot_dimension_numbers<[1], [0], [0], [1], [0, 0, 1, 1], [], []>, transpose_lhs_hint = false} : vector<256x2048xf32>, vector<2048x512xf32>, vector<256x512xf32> -> vector<256x512xf32>
    %add3A = arith.addf %get3A_3, %dot_general3A_10 : vector<256x512xf32>
    %swap3A = arith.constant 0 : index
    %swap3A_11 = arith.constant 0 : index
    %swap3A_12 = vector.load %arg6[%swap3A, %swap3A_11] : memref<256x512xf32, #tpu.memory_space<vmem>>, vector<256x512xf32>
    tpu.vector_store %arg6[%swap3A, %swap3A_11], %add3A {strides = array<i32>} : memref<256x512xf32, #tpu.memory_space<vmem>>, vector<256x512xf32>,
    %eq3A_13 = arith.constant 15 : i32
    %eq3A_14 = arith.cmpi eq, %arg1, %eq3A_13 : i32
    %convert_element_type3A_15 = arith.extui %eq3A_14 : i1 to i32
    %cond3A_16 = arith.constant 0 : i32
    %cond3A_17 = arith.cmpi ne, %convert_element_type3A_15, %cond3A_16 : i32
    scf.if %cond3A_17 {
      %get3A_18 = arith.constant 0 : index
      %get3A_19 = arith.constant 0 : index
      %get3A_20 = vector.load %arg6[%get3A_18, %get3A_19] : memref<256x512xf32, #tpu.memory_space<vmem>>, vector<256x512xf32>
      %get3A_21 = arith.constant 0 : index
      %get3A_22 = arith.constant 0 : index
      %get3A_23 = vector.load %arg4[%get3A_21, %get3A_22] : memref<1x512xf32, #tpu.memory_space<vmem>>, vector<1x512xf32>
      %add3A_24 = vector.broadcast %get3A_23 : vector<1x512xf32> to vector<256x512xf32>
      %add3A_25 = arith.addf %get3A_20, %add3A_24 : vector<256x512xf32>
      %max3A = arith.constant 0.000000e+00 : f32
      %max3A_26 = vector.broadcast %max3A : f32 to vector<256x512xf32>
      %max3A_27 = arith.maximumf %add3A_25, %max3A_26 : vector<256x512xf32>
      %swap3A_28 = arith.constant 0 : index
      %swap3A_29 = arith.constant 0 : index
      %swap3A_30 = vector.load %arg5[%swap3A_28, %swap3A_29] : memref<256x512xf32, #tpu.memory_space<vmem>>, vector<256x512xf32>
      tpu.vector_store %arg5[%swap3A_28, %swap3A_29], %max3A_27 {strides = array<i32>} : memref<256x512xf32, #tpu.memory_space<vmem>>, vector<256x512xf32>,
    } else {
    }
    return
  }
  func.func @transform_0(%arg0: i32, %arg1: i32) -> (i32, i32) {
    %c0_i32 = arith.constant 0 : i32
    %c0_i32_0 = arith.constant 0 : i32
    return %c0_i32, %arg1 : i32, i32
  }
  func.func @transform_1(%arg0: i32, %arg1: i32) -> (i32, i32) {
    %c0_i32 = arith.constant 0 : i32
    return %arg1, %arg0 : i32, i32
  }
  func.func @transform_2(%arg0: i32, %arg1: i32) -> (i32, i32) {
    %c0_i32 = arith.constant 0 : i32
    %c0_i32_0 = arith.constant 0 : i32
    return %c0_i32, %arg0 : i32, i32
  }
  func.func @transform_3(%arg0: i32, %arg1: i32) -> (i32, i32) {
    %c0_i32 = arith.constant 0 : i32
    %c0_i32_0 = arith.constant 0 : i32
    return %c0_i32, %arg0 : i32, i32
  }
}

module attributes {stable_mosaic.version = 14 : i64} {
  func.func @_fc2_kernel(%arg0: memref<256x1024xf32, #tpu.memory_space<vmem>>, %arg1: memref<10x1024xf32, #tpu.memory_space<vmem>>, %arg2: memref<1x10xf32, #tpu.memory_space<vmem>>, %arg3: memref<256x10xf32, #tpu.memory_space<vmem>>) attributes {dimension_semantics = [], scalar_prefetch = 0 : i64, scratch_operands = 0 : i64, tpu.core_type = #tpu.core_type<tc>} {
    %get3A = arith.constant 0 : index
    %get3A_0 = arith.constant 0 : index
    %get3A_1 = vector.load %arg0[%get3A, %get3A_0] : memref<256x1024xf32, #tpu.memory_space<vmem>>, vector<256x1024xf32>
    %get3A_2 = arith.constant 0 : index
    %get3A_3 = arith.constant 0 : index
    %get3A_4 = vector.load %arg1[%get3A_2, %get3A_3] : memref<10x1024xf32, #tpu.memory_space<vmem>>, vector<10x1024xf32>
    %dot_general3A = arith.constant dense<0.000000e+00> : vector<256x10xf32>
    %dot_general3A_5 = tpu.matmul %get3A_1, %get3A_4, %dot_general3A {dimension_numbers = #tpu.dot_dimension_numbers<[1], [1], [0], [0], [0, 0, 1, 0], [], []>, transpose_lhs_hint = false} : vector<256x1024xf32>, vector<10x1024xf32>, vector<256x10xf32> -> vector<256x10xf32>
    %get3A_6 = arith.constant 0 : index
    %get3A_7 = arith.constant 0 : index
    %get3A_8 = vector.load %arg2[%get3A_6, %get3A_7] : memref<1x10xf32, #tpu.memory_space<vmem>>, vector<1x10xf32>
    %add3A = vector.broadcast %get3A_8 : vector<1x10xf32> to vector<256x10xf32>
    %add3A_9 = arith.addf %dot_general3A_5, %add3A : vector<256x10xf32>
    %swap3A = arith.constant 0 : index
    %swap3A_10 = arith.constant 0 : index
    %swap3A_11 = vector.load %arg3[%swap3A, %swap3A_10] : memref<256x10xf32, #tpu.memory_space<vmem>>, vector<256x10xf32>
    tpu.vector_store %arg3[%swap3A, %swap3A_10], %add3A_9 {strides = array<i32>} : memref<256x10xf32, #tpu.memory_space<vmem>>, vector<256x10xf32>,
    return
  }
}

</mosaic_0001>

<sc_bundles>
// kernel: sparse-core-data-format-call.cloned.1.call-start
scs
called_computation_lowered:
.L_overlay_start_0:
0x0: {  	s1 =	sld [smem:$0x3FD9]  }
0x1: {  	s2 =	sld [smem:$0x3FFE];
	_ =	sdelay $0x1  }
0x2: {  	s3 =	srdreg.scid  }
0x3: {  	s0 =	sand.u32 $0x1, s3  }
0x4: {  	s17 =	sshll.u32 s0, $0xA;
	s1 =	sadd.s32 s2, s1  }
0x5: {  	s1 =	sadd.s32 s1, s17  }
0x6: {  	[smem:$0x3FB5] =	sst s1  }
0x7: {  	_ = 	snop  }
0x8: {  	(tm) =	ssettm $0x1  }
0x9: {  	s18 =	sld [smem:$0x3FFB];
	_ =	sdelay $0x3  }
0xa: {  	_ =	strace s18  }
0xb: {  	s1 =	sld [smem:$0x3FFC];
	_ =	sdelay $0x3  }
0xc: {  	_ =	strace s1  }
0xd: {  	s1 =	sld [smem:$0x3FFD];
	_ =	sdelay $0x3  }
0xe: {  	_ =	strace s1  }
0xf: {  	_ =	strace $0x8FFFFFFF  }
0x10: {  	s19 =	sld [smem:$0x3FDB];
	_ =	sdelay $0x1  }
0x11: {  	s20 =	simm.s32 $_scs_section_size  }
0x12: {  	s4 =	simm.s32 $_size__tile_overlayer_lowered;
	s5 =	simm.s32 $_tile_overlayer_lowered  }
0x13: {  	s23 =	simm.s32 $0x1BFF;
	s22 =	sshll.u32 s5, $0x1;
	s1 =	sadd.s32 s20, s19  }
0x14: {  	s6 =	simm.s32 $0x0;
	s21 =	sshll.u32 s4, $0x1;
	s4 =	sadd.s32 s22, s1  }
0x15: {  	[timem:s6], [sflag:s23] =	dma.local [hbm:s4], s21  }
0x16: {  	_ =	swait.ge [sflag:s23], s21  }
0x17: {  	s2 =	ssub.s32 $0x0, s21;
	[sflag:s23] =	ssyncset.done $0x0  }
0x18: {  	[sflag:s23] =	ssyncadd.s32 s2;
	_ =	sdelay $0x1  }
0x19: {  	s24 =	simm.s32 $0x1B8B  }
0x1a: {  	_ =	swait.ge [sflag:s24], $0x1  }
0x1b: {  	[sflag:s24] =	ssyncset.done $0x0  }
0x1c: {  	s26 =	simm.s32 $0x1B8E;
	s25 =	sld [smem:$0x3FFE];
	[sflag:s24] =	ssyncadd.s32 $0xFFFFFFFF  }
0x1d: {  	s27 =	simm.s32 $execute0_lowered;
	[smem:$0x3FD2] =	sst s26  }
0x1e: {  	s4 =	sshll.u32 s27, $0x1;
	_ =	strace $0x80000046;
	[dreg:$0x1] =	wrdreg $0xFFFFFFFF  }
0x1f: {  	s28 =	simm.s32 $_size_execute0_lowered;
	s1 =	sadd.s32 s1, s4;
	[dreg:$0x0] =	wrdreg $0x0  }
0x20: {  	s4 =	sshll.u32 s28, $0x1;
	[dreg:$0x2] =	wrdreg s1  }
0x21: {  	[dreg:$0x3] =	wrdreg s4  }
0x22: {  	[dreg:$0x4] =	wrdreg $0xC0  }
0x23: {  	_ =	task [dreg:s6], $0x5FFFF  }
0x24: {  	[dreg:$0x1] =	wrdreg $0xFFFFFFFF  }
0x25: {  	[dreg:$0x0] =	wrdreg $0x60  }
0x26: {  	[dreg:$0x2] =	wrdreg s25  }
0x27: {  	[dreg:$0x3] =	wrdreg $0x9  }
0x28: {  	_ =	task.clear_ibuf [dreg:s6], $0x4FFFF;
	_ =	strace $0x90000046  }
0x29: {  	s29 =	simm.s32 $0x9;
	_ =	strace $0x80000048  }
0x2a: {  	_ =	swait.ge [sflag:s29], $0x1  }
0x2b: {  	[sflag:s29] =	ssyncadd.s32 $0xFFFFFFFF  }
0x2c: {  	_ =	strace $0x90000048  }
0x2d: {  	_ =	sfence  }
0x2e: {  	s30 =	sld [smem:$0x0];
	_ =	sdelay $0x2  }
0x2f: {  	s31 =	sshll.u32 s3, $0xD;
	s3 =	sshrl.u32 s3, $0x2  }
0x30: {  	s2 =	sand.u32 $0x4000, s31;
	s1 =	sadd.s32 s3, s30  }
0x31: {  	s0 =	sor.u32 s2, s0;
	s1 =	sshll.u32 s1, $0x11  }
0x32: {  	s0 =	sor.u32 s1, s0  }
0x33: {  	s0 =	sadd.s32 $0x8F2B, s0  }
0x34: {  	[sflag:s0] =	ssyncadd.remote.s32 $0x1  }
0x35: {  	_ =	sfence.sel $0xFFFF  }
0x36: {  	[dreg:$0x0] =	wrdreg $0xFFFFFFFF;
	(pc) =	sbr.abs _section_cstart, $3  }
0x37: {  	[dreg:$0x1] =	wrdreg $0xFFFFFFFF  }
0x38: {  	_ =	task.clear_ibuf [dreg:s6], $0x2FFFF;
	_ =	strace $0x9FFFFFFF  }
0x39: {  	(tm) =	ssettm $0x7FFFFFFF  }
tec
execute0_lowered:
.L_overlay_start_1:
0x0: {  	(tag) =	ssettag $0x1  }
0x1: {  	s0 =	rddreg [dreg:$0x0];
	_ =	strace $0x80000047  }
0x2: {  	s30 =	srdreg.scid;
	s2 =	stileid.u32;
	s1 =	simm.s32 $0x1  }
0x3: {  	s31 =	simm.s32 $0x2;
	s12 =	simm.s32 $0x0;
	s13 =	simm.s32 $0x0  }
0x4: {  	s14 =	simm.s32 $0x0;
	s15 =	simm.s32 $0x0;
	s8 =	simm.s32 $0x0  }
.Ltmp0:
0x5: {  	s5 =	sadd.s32 $0x402800, s0;
	s0 =	sadd.s32 $0x2800, s0;
	(pc) =	sbr.rel .LBB1_1-.Ltmp0, $4  }
0x6: {  	s9 =	simm.s32 $0x0;
	[dreg:$0x3] =	wrdreg s0;
	s0 =	sshll.u32 s30, $0x4  }
0x7: {  	s10 =	simm.s32 $0x0;
	s7 =	simm.s32 $0x0;
	s0 =	sand.u32 $0x10, s0  }
0x8: {  	[sflag:s1] =	ssyncpa.u1 $0x0;
	[dreg:$0x2] =	wrdreg s5;
	s6 =	sor.u32 s2, s0  }
0x9: {  	[sflag:s31] =	ssyncpa.u1 $0x0;
	s11 =	smov.u32 s6;
	[dreg:$0x4] =	wrdreg s6  }
.LBB1_9:
0xa: {  	s0 =	sadd.s32 $0x8, s8  }
0xb: {  	s1 =	simm.s32 $0x1;
	p1 =	sgt.s32 s0, $0xF  }
0xc: {  	s1 =	simm.s32 @!p1 $0x0  }
0xd: {  	s1 =	sadd.s32 s1, s9  }
0xe: {  	s2 =	simm.s32 $0x1;
	p2 =	sgt.s32 s1, $0x1  }
0xf: {  	s2 =	simm.s32 @!p2 $0x0  }
0x10: {  	s2 =	sadd.s32 s2, s10  }
0x11: {  	s3 =	sadd.s32 $0x20, s11;
	s4 =	smov.u32 s11;
	p3 =	sgt.s32 s2, $0xF  }
0x12: {  	p0 =	slt.u32 s7, $0x2;
	s4 =	smov.u32 @p3 s3  }
0x13: {  	s7 =	sadd.s32 $0x1, s7;
	s0 =	simm.s32 @p1 $0x0;
	p1 =	sgt.s32 s4, $0x1F  }
0x14: {  	s4 =	smov.u32 @p1 s6;
	p1 =	sne.s32 s7, $0x42  }
.Ltmp1:
0x15: {  	s12 =	smov.u32 s8;
	s13 =	smov.u32 s9;
	(pc) =	sbr.rel @!p1 .LBB1_10-.Ltmp1, $4  }
0x16: {  	s14 =	smov.u32 s10;
	s15 =	smov.u32 s11;
	s3 =	simm.s32 @!p0 $0x2  }
0x17: {  	s8 =	smov.u32 s0;
	s1 =	simm.s32 @p2 $0x0;
	_ =	swait.ge @!p0 [sflag:s3], $0x4000  }
0x18: {  	s9 =	smov.u32 s1;
	s2 =	simm.s32 @p3 $0x0;
	[sflag:s3] =	ssyncset.done @!p0 $0x0  }
0x19: {  	s10 =	smov.u32 s2;
	[sflag:s3] =	ssyncadd.s32 @!p0 $0xFFFFC000;
	s11 =	smov.u32 s4  }
.LBB1_1:
0x1a: {  	p0 =	sgt.u32 s7, $0x3F  }
0x1b: {  	s0 =	sshll.u32 @!p0 s11, $0x11  }
0x1c: {  	s1 =	sshll.u32 @!p0 s10, $0xD;
	s0 =	sadd.s32 @!p0 s5, s0  }
0x1d: {  	s2 =	sxor.u32 @!p0 $0xFFFFFFFF, s7;
	s3 =	sshll.u32 @!p0 s9, $0xC;
	s0 =	sadd.s32 @!p0 s1, s0  }
0x1e: {  	s1 =	sshll.u32 @!p0 s2, $0xE;
	s2 =	sshll.u32 @!p0 s8, $0x8;
	s0 =	sadd.s32 @!p0 s3, s0  }
0x1f: {  	s1 =	sand.u32 @!p0 $0x4000, s1;
	s0 =	sadd.s32 @!p0 s2, s0;
	s2 =	simm.s32 @!p0 $0x0  }
0x20: {  	[tilespmem:s1], [sflag:$0x1] =	stream.linear.gather @!p0 [hbm4b:s0+s2], $0x4000, $0x38;
	[tilespmem:$0x10000] =	vst v63  }
0x21: {  	p0 =	seq.s32 s7, $0x0  }
0x22: {  	p1 =	seq.s32 @!p0 s7, $0x41  }
0x23: {  	p0 =	por p0, p1  }
.Ltmp2:
0x24: {  	_ = 	snop;
	(pc) =	sbr.rel @p0 .LBB1_9-.Ltmp2, $1  }
0x25: {  	_ =	sdelay $0x3  }
0x26: {  	[dreg:$0xd] =	wrdreg s15  }
0x27: {  	[dreg:$0xc] =	wrdreg s14  }
0x28: {  	[dreg:$0xb] =	wrdreg s13  }
0x29: {  	[dreg:$0xa] =	wrdreg s12  }
0x2a: {  	[dreg:$0x9] =	wrdreg s11  }
0x2b: {  	[dreg:$0x8] =	wrdreg s10  }
0x2c: {  	[dreg:$0x7] =	wrdreg s9  }
0x2d: {  	[dreg:$0x6] =	wrdreg s8  }
0x2e: {  	[dreg:$0x5] =	wrdreg s7;
	s0 =	sshll.u32 s7, $0xE;
	s1 =	simm.s32 $0x1  }
0x2f: {  	_ =	swait.ge [sflag:s1], $0x4000;
	s0 =	sand.u32 $0x4000, s0  }
0x30: {  	[sflag:s1] =	ssyncset.done $0x0;
	s2 =	sor.u32 $0x8000, s0  }
0x31: {  	v0 =	vmov s0;
	[sflag:s1] =	ssyncadd.s32 $0xFFFFC000;
	s1 =	simm.s32 $0x0;
	[dreg:$0xe] =	wrdreg s2;
	v1 =	vmov s2  }
.LBB1_3:
0x32: {  	[dreg:$0xf] =	wrdreg s1;
	s0 =	sshll.u32 s1, $0xB  }
0x33: {  	s1 =	sor.u32 $0x10, s0;
	[dreg:$0x10] =	wrdreg s0  }
0x34: {  	s3 =	sor.u32 $0x20, s0;
	[dreg:$0x11] =	wrdreg s1  }
0x35: {  	s4 =	sor.u32 $0x30, s0;
	[dreg:$0x12] =	wrdreg s3  }
0x36: {  	s5 =	sor.u32 $0x40, s0;
	[dreg:$0x13] =	wrdreg s4  }
0x37: {  	s6 =	sor.u32 $0x50, s0;
	[dreg:$0x14] =	wrdreg s5  }
0x38: {  	s7 =	sor.u32 $0x60, s0;
	[dreg:$0x15] =	wrdreg s6  }
0x39: {  	s8 =	sor.u32 $0x70, s0;
	[dreg:$0x16] =	wrdreg s7  }
0x3a: {  	s9 =	sor.u32 $0x100, s0;
	[dreg:$0x17] =	wrdreg s8  }
0x3b: {  	s10 =	sor.u32 $0x110, s0;
	[dreg:$0x18] =	wrdreg s9  }
0x3c: {  	s11 =	sor.u32 $0x120, s0;
	[dreg:$0x19] =	wrdreg s10  }
0x3d: {  	s12 =	sor.u32 $0x130, s0;
	[dreg:$0x1a] =	wrdreg s11  }
0x3e: {  	s13 =	sor.u32 $0x140, s0;
	[dreg:$0x1b] =	wrdreg s12  }
0x3f: {  	s14 =	sor.u32 $0x150, s0;
	[dreg:$0x1c] =	wrdreg s13  }
0x40: {  	s15 =	sor.u32 $0x160, s0;
	[dreg:$0x1d] =	wrdreg s14  }
0x41: {  	s16 =	sor.u32 $0x170, s0;
	[dreg:$0x1e] =	wrdreg s15  }
0x42: {  	s17 =	sor.u32 $0x200, s0;
	[dreg:$0x1f] =	wrdreg s16  }
0x43: {  	s18 =	sor.u32 $0x210, s0;
	[smem:$0x7EE] =	sst s17  }
0x44: {  	s19 =	sor.u32 $0x220, s0;
	[smem:$0x7EF] =	sst s18  }
0x45: {  	s20 =	sor.u32 $0x230, s0;
	[smem:$0x7F0] =	sst s19  }
0x46: {  	s21 =	sor.u32 $0x240, s0;
	[smem:$0x7F1] =	sst s20  }
0x47: {  	s22 =	sor.u32 $0x250, s0;
	[smem:$0x7F2] =	sst s21  }
0x48: {  	s23 =	sor.u32 $0x260, s0;
	[smem:$0x7F3] =	sst s22  }
0x49: {  	s24 =	sor.u32 $0x270, s0;
	[smem:$0x7F4] =	sst s23  }
0x4a: {  	s25 =	sor.u32 $0x300, s0;
	[smem:$0x7F5] =	sst s24  }
0x4b: {  	s26 =	sor.u32 $0x310, s0;
	[smem:$0x7F6] =	sst s25  }
0x4c: {  	s27 =	sor.u32 $0x320, s0;
	[smem:$0x7F7] =	sst s26  }
0x4d: {  	s28 =	sor.u32 $0x330, s0;
	[smem:$0x7F8] =	sst s27  }
0x4e: {  	s29 =	sor.u32 $0x340, s0;
	[smem:$0x7F9] =	sst s28  }
0x4f: {  	s30 =	sor.u32 $0x350, s0;
	[smem:$0x7FA] =	sst s29  }
0x50: {  	s31 =	sor.u32 $0x360, s0;
	[smem:$0x7FB] =	sst s30  }
0x51: {  	s0 =	sor.u32 $0x370, s0;
	[smem:$0x7FC] =	sst s31  }
0x52: {  	p1 =	por $0x1, $0x1;
	[smem:$0x7FD] =	sst s0;
	s19 =	simm.s32 $0x0  }
.LBB1_4:
0x53: {  	s0 =	rddreg [dreg:$0x10]  }
0x54: {  	s26 =	rddreg [dreg:$0x11]  }
0x55: {  	s1 =	rddreg [dreg:$0x12]  }
0x56: {  	s2 =	rddreg [dreg:$0x13]  }
0x57: {  	s3 =	rddreg [dreg:$0x14]  }
0x58: {  	s4 =	rddreg [dreg:$0x15]  }
0x59: {  	s5 =	rddreg [dreg:$0x16]  }
0x5a: {  	s6 =	rddreg [dreg:$0x17]  }
0x5b: {  	s7 =	rddreg [dreg:$0x18]  }
0x5c: {  	s8 =	rddreg [dreg:$0x19]  }
0x5d: {  	s9 =	rddreg [dreg:$0x1a]  }
0x5e: {  	s10 =	rddreg [dreg:$0x1b]  }
0x5f: {  	s11 =	rddreg [dreg:$0x1c]  }
0x60: {  	s12 =	rddreg [dreg:$0x1f]  }
0x61: {  	s13 =	sld [smem:$0x7EE]  }
0x62: {  	s14 =	sld [smem:$0x7EF]  }
0x63: {  	s15 =	sld [smem:$0x7F0]  }
0x64: {  	s16 =	sld [smem:$0x7F3]  }
0x65: {  	s18 =	sld [smem:$0x7F4]  }
0x66: {  	s20 =	sld [smem:$0x7F5]  }
0x67: {  	s21 =	sld [smem:$0x7F6]  }
0x68: {  	s22 =	sld [smem:$0x7F7]  }
0x69: {  	s23 =	sld [smem:$0x7F8]  }
0x6a: {  	s24 =	sld [smem:$0x7F9]  }
0x6b: {  	s25 =	sld [smem:$0x7FA];
	p0 =	por p1, p1  }
0x6c: {  	s0 =	sor.u32 s0, s19;
	s29 =	sor.u32 s8, s19;
	s8 =	sld [smem:$0x7F2]  }
0x6d: {  	p1 =	por $0x1, $0x1;
	s27 =	sor.u32 s6, s19;
	[smem:$0x7E7] =	sst s0  }
0x6e: {  	s28 =	sor.u32 s7, s19;
	s0 =	sor.u32 s26, s19;
	s26 =	sld [smem:$0x7FB]  }
0x6f: {  	s30 =	sor.u32 s9, s19;
	s31 =	sor.u32 s10, s19;
	[smem:$0x7E8] =	sst s0  }
0x70: {  	s7 =	sor.u32 s12, s19;
	s0 =	sor.u32 s1, s19;
	s1 =	rddreg [dreg:$0x1d]  }
0x71: {  	s9 =	sor.u32 s22, s19;
	s10 =	sor.u32 s23, s19;
	[smem:$0x7E9] =	sst s0  }
0x72: {  	s12 =	sor.u32 s25, s19;
	s0 =	sor.u32 s2, s19;
	s2 =	rddreg [dreg:$0x1e]  }
0x73: {  	[smem:$0x7EA] =	sst s0;
	s0 =	sor.u32 s3, s19;
	s6 =	sor.u32 s2, s19  }
0x74: {  	s2 =	sor.u32 s15, s19;
	s15 =	sor.u32 s20, s19;
	s20 =	sld [smem:$0x7FD]  }
0x75: {  	s1 =	sor.u32 s1, s19;
	[smem:$0x7EB] =	sst s0;
	s0 =	sor.u32 s4, s19  }
0x76: {  	s4 =	sor.u32 s14, s19;
	s14 =	sor.u32 s18, s19;
	s18 =	sld [smem:$0x7FC]  }
0x77: {  	s17 =	sor.u32 s8, s19;
	s3 =	sor.u32 s13, s19;
	[smem:$0x7EC] =	sst s0  }
0x78: {  	s13 =	sor.u32 s16, s19;
	s0 =	sor.u32 s5, s19;
	s5 =	sld [smem:$0x7F1]  }
0x79: {  	s16 =	sor.u32 s21, s19;
	s8 =	sor.u32 s26, s19;
	[smem:$0x7ED] =	sst s0  }
0x7a: {  	s0 =	sor.u32 s11, s19;
	s11 =	sor.u32 s24, s19;
	s18 =	sor.u32 s18, s19  }
0x7b: {  	s5 =	sor.u32 s5, s19;
	s19 =	sor.u32 s20, s19;
	s20 =	simm.s32 $0x0  }
.LBB1_5:
0x7c: {  	s21 =	sld [smem:$0x7E7];
	_ =	sdelay $0x2  }
0x7d: {  	s21 =	sor.u32 s20, s21  }
0x7e: {  	s22 =	sld [smem:$0x7E8];
	v2 =	vld.idx.msk [tilespmem:v0+s21+$0x0 ss:$0x1], $0xffff  }
0x7f: {  	s23 =	sld [smem:$0x7E9]  }
0x80: {  	s24 =	sld [smem:$0x7EA]  }
0x81: {  	s25 =	sld [smem:$0x7EB];
	s22 =	sor.u32 s20, s22  }
0x82: {  	s26 =	sld [smem:$0x7EC];
	s23 =	sor.u32 s20, s23;
	v3 =	vld.idx.msk [tilespmem:v0+s22+$0x0 ss:$0x1], $0xffff  }
0x83: {  	s24 =	sor.u32 s20, s24;
	v4 =	vld.idx.msk [tilespmem:v0+s23+$0x0 ss:$0x1], $0xffff;
	[tilespmem:v1+s21+$0x0 ss:$0x1] =	vst.idx.msk $0xffff, v2;
	s21 =	sld [smem:$0x7ED]  }
0x84: {  	s25 =	sor.u32 s20, s25;
	v5 =	vld.idx.msk [tilespmem:v0+s24+$0x0 ss:$0x1], $0xffff  }
0x85: {  	s26 =	sor.u32 s20, s26;
	v6 =	vld.idx.msk [tilespmem:v0+s25+$0x0 ss:$0x1], $0xffff  }
0x86: {  	v2 =	vld.idx.msk [tilespmem:v0+s26+$0x0 ss:$0x1], $0xffff;
	s21 =	sor.u32 s20, s21  }
0x87: {  	[tilespmem:v1+s22+$0x0 ss:$0x1] =	vst.idx.msk $0xffff, v3;
	s22 =	sor.u32 s20, s27;
	v3 =	vld.idx.msk [tilespmem:v0+s21+$0x0 ss:$0x1], $0xffff  }
0x88: {  	[tilespmem:v1+s23+$0x0 ss:$0x1] =	vst.idx.msk $0xffff, v4;
	s23 =	sor.u32 s20, s28;
	v49 =	vld.idx.msk [tilespmem:v0+s22+$0x0 ss:$0x1], $0xffff  }
0x89: {  	[tilespmem:v1+s24+$0x0 ss:$0x1] =	vst.idx.msk $0xffff, v5;
	s24 =	sor.u32 s20, s29;
	v50 =	vld.idx.msk [tilespmem:v0+s23+$0x0 ss:$0x1], $0xffff  }
0x8a: {  	[tilespmem:v1+s25+$0x0 ss:$0x1] =	vst.idx.msk $0xffff, v6;
	s25 =	sor.u32 s20, s30;
	v51 =	vld.idx.msk [tilespmem:v0+s24+$0x0 ss:$0x1], $0xffff  }
0x8b: {  	[tilespmem:v1+s26+$0x0 ss:$0x1] =	vst.idx.msk $0xffff, v2;
	v2 =	vld.idx.msk [tilespmem:v0+s25+$0x0 ss:$0x1], $0xffff;
	s26 =	sor.u32 s20, s31  }
0x8c: {  	[tilespmem:v1+s21+$0x0 ss:$0x1] =	vst.idx.msk $0xffff, v3;
	v3 =	vld.idx.msk [tilespmem:v0+s26+$0x0 ss:$0x1], $0xffff;
	s21 =	sor.u32 s20, s0  }
0x8d: {  	[tilespmem:v1+s22+$0x0 ss:$0x1] =	vst.idx.msk $0xffff, v49;
	s22 =	sor.u32 s20, s1;
	v52 =	vld.idx.msk [tilespmem:v0+s21+$0x0 ss:$0x1], $0xffff  }
0x8e: {  	[tilespmem:v1+s23+$0x0 ss:$0x1] =	vst.idx.msk $0xffff, v50;
	s23 =	sor.u32 s20, s6;
	v53 =	vld.idx.msk [tilespmem:v0+s22+$0x0 ss:$0x1], $0xffff  }
0x8f: {  	[tilespmem:v1+s24+$0x0 ss:$0x1] =	vst.idx.msk $0xffff, v51;
	s24 =	sor.u32 s20, s7;
	v54 =	vld.idx.msk [tilespmem:v0+s23+$0x0 ss:$0x1], $0xffff  }
0x90: {  	[tilespmem:v1+s25+$0x0 ss:$0x1] =	vst.idx.msk $0xffff, v2;
	v2 =	vld.idx.msk [tilespmem:v0+s24+$0x0 ss:$0x1], $0xffff;
	s25 =	sor.u32 s20, s3  }
0x91: {  	[tilespmem:v1+s26+$0x0 ss:$0x1] =	vst.idx.msk $0xffff, v3;
	v3 =	vld.idx.msk [tilespmem:v0+s25+$0x0 ss:$0x1], $0xffff;
	s26 =	sor.u32 s20, s4  }
0x92: {  	[tilespmem:v1+s21+$0x0 ss:$0x1] =	vst.idx.msk $0xffff, v52;
	v55 =	vld.idx.msk [tilespmem:v0+s26+$0x0 ss:$0x1], $0xffff;
	s21 =	sor.u32 s20, s2  }
0x93: {  	[tilespmem:v1+s22+$0x0 ss:$0x1] =	vst.idx.msk $0xffff, v53;
	s22 =	sor.u32 s20, s5;
	v56 =	vld.idx.msk [tilespmem:v0+s21+$0x0 ss:$0x1], $0xffff  }
0x94: {  	[tilespmem:v1+s23+$0x0 ss:$0x1] =	vst.idx.msk $0xffff, v54;
	s23 =	sor.u32 s20, s17;
	v57 =	vld.idx.msk [tilespmem:v0+s22+$0x0 ss:$0x1], $0xffff  }
0x95: {  	[tilespmem:v1+s24+$0x0 ss:$0x1] =	vst.idx.msk $0xffff, v2;
	v2 =	vld.idx.msk [tilespmem:v0+s23+$0x0 ss:$0x1], $0xffff;
	s24 =	sor.u32 s20, s13  }
0x96: {  	[tilespmem:v1+s25+$0x0 ss:$0x1] =	vst.idx.msk $0xffff, v3;
	v3 =	vld.idx.msk [tilespmem:v0+s24+$0x0 ss:$0x1], $0xffff;
	s25 =	sor.u32 s20, s14  }
0x97: {  	[tilespmem:v1+s26+$0x0 ss:$0x1] =	vst.idx.msk $0xffff, v55;
	v58 =	vld.idx.msk [tilespmem:v0+s25+$0x0 ss:$0x1], $0xffff;
	s26 =	sor.u32 s20, s15  }
0x98: {  	[tilespmem:v1+s21+$0x0 ss:$0x1] =	vst.idx.msk $0xffff, v56;
	v59 =	vld.idx.msk [tilespmem:v0+s26+$0x0 ss:$0x1], $0xffff;
	s21 =	sor.u32 s20, s16  }
0x99: {  	[tilespmem:v1+s22+$0x0 ss:$0x1] =	vst.idx.msk $0xffff, v57;
	s22 =	sor.u32 s20, s9;
	v60 =	vld.idx.msk [tilespmem:v0+s21+$0x0 ss:$0x1], $0xffff  }
0x9a: {  	[tilespmem:v1+s23+$0x0 ss:$0x1] =	vst.idx.msk $0xffff, v2;
	v2 =	vld.idx.msk [tilespmem:v0+s22+$0x0 ss:$0x1], $0xffff;
	s23 =	sor.u32 s20, s10  }
0x9b: {  	[tilespmem:v1+s24+$0x0 ss:$0x1] =	vst.idx.msk $0xffff, v3;
	v3 =	vld.idx.msk [tilespmem:v0+s23+$0x0 ss:$0x1], $0xffff;
	s24 =	sor.u32 s20, s11  }
0x9c: {  	[tilespmem:v1+s25+$0x0 ss:$0x1] =	vst.idx.msk $0xffff, v58;
	v61 =	vld.idx.msk [tilespmem:v0+s24+$0x0 ss:$0x1], $0xffff;
	s25 =	sor.u32 s20, s12  }
0x9d: {  	[tilespmem:v1+s26+$0x0 ss:$0x1] =	vst.idx.msk $0xffff, v59;
	v62 =	vld.idx.msk [tilespmem:v0+s25+$0x0 ss:$0x1], $0xffff;
	s26 =	sor.u32 s20, s8  }
0x9e: {  	[tilespmem:v1+s21+$0x0 ss:$0x1] =	vst.idx.msk $0xffff, v60;
	v63 =	vld.idx.msk [tilespmem:v0+s26+$0x0 ss:$0x1], $0xffff;
	s21 =	sor.u32 s20, s18  }
0x9f: {  	[tilespmem:v1+s22+$0x0 ss:$0x1] =	vst.idx.msk $0xffff, v2;
	s22 =	sor.u32 s20, s19;
	v2 =	vld.idx.msk [tilespmem:v0+s21+$0x0 ss:$0x1], $0xffff  }
0xa0: {  	p2 =	por p1, p1;
	[tilespmem:v1+s23+$0x0 ss:$0x1] =	vst.idx.msk $0xffff, v3;
	v3 =	vld.idx.msk [tilespmem:v0+s22+$0x0 ss:$0x1], $0xffff  }
.Ltmp3:
0xa1: {  	[tilespmem:v1+s24+$0x0 ss:$0x1] =	vst.idx.msk $0xffff, v61;
	(pc) =	sbr.rel @p2 .LBB1_5-.Ltmp3, $4  }
0xa2: {  	[tilespmem:v1+s25+$0x0 ss:$0x1] =	vst.idx.msk $0xffff, v62  }
0xa3: {  	[tilespmem:v1+s26+$0x0 ss:$0x1] =	vst.idx.msk $0xffff, v63  }
0xa4: {  	[tilespmem:v1+s21+$0x0 ss:$0x1] =	vst.idx.msk $0xffff, v2  }
0xa5: {  	p1 =	por $0x0, $0x0;
	s20 =	simm.s32 $0x400;
	[tilespmem:v1+s22+$0x0 ss:$0x1] =	vst.idx.msk $0xffff, v3  }
.Ltmp4:
0xa6: {  	(pc) =	sbr.rel @p0 .LBB1_4-.Ltmp4, $2  }
0xa7: {  	_ =	sdelay $0x2  }
0xa8: {  	s19 =	simm.s32 $0x80;
	p1 =	por $0x0, $0x0  }
0xa9: {  	s1 =	rddreg [dreg:$0xf]  }
0xaa: {  	s1 =	sadd.s32 $0x1, s1  }
0xab: {  	p0 =	sne.s32 s1, $0x8  }
.Ltmp5:
0xac: {  	_ = 	snop;
	(pc) =	sbr.rel @p0 .LBB1_3-.Ltmp5, $1  }
0xad: {  	_ =	sdelay $0x3  }
0xae: {  	s0 =	rddreg [dreg:$0xd]  }
0xaf: {  	s1 =	rddreg [dreg:$0xc]  }
0xb0: {  	s2 =	rddreg [dreg:$0x3]  }
0xb1: {  	s28 =	rddreg [dreg:$0xb]  }
0xb2: {  	s29 =	rddreg [dreg:$0xa]  }
0xb3: {  	s3 =	rddreg [dreg:$0xe]  }
0xb4: {  	s5 =	rddreg [dreg:$0x2]  }
0xb5: {  	s6 =	rddreg [dreg:$0x4]  }
0xb6: {  	s7 =	rddreg [dreg:$0x5]  }
0xb7: {  	s30 =	simm.s32 $0x800;
	s8 =	rddreg [dreg:$0x6];
	s0 =	sshll.u32 s0, $0x9  }
.Ltmp6:
0xb8: {  	s1 =	sshll.u32 s1, $0x12;
	s0 =	sadd.s32 s2, s0;
	(pc) =	sbr.rel .LBB1_9-.Ltmp6, $4  }
0xb9: {  	s9 =	rddreg [dreg:$0x7];
	s2 =	sshll.u32 s28, $0x8;
	s0 =	sadd.s32 s1, s0  }
0xba: {  	s10 =	rddreg [dreg:$0x8];
	s1 =	sshll.u32 s29, $0xE;
	s0 =	sadd.s32 s2, s0  }
0xbb: {  	s31 =	simm.s32 $0x20000;
	s11 =	rddreg [dreg:$0x9];
	s0 =	sadd.s32 s1, s0  }
0xbc: {  	[hbm4b:s0+s30] =	stream.strided.scatter [tilespmem:s3], [sflag:$0x2], $0x4000, s31, s30, $0x38;
	[tilespmem:$0x10000] =	vst v63  }
.LBB1_10:
0xbd: {  	_ =	sfence.sel $0x180000  }
0xbe: {  	s0 =	simm.s32 $0x1;
	[bflag:$0x0] =	sbarrier.arrive $0xFFFF  }
0xbf: {  	s30 =	simm.s32 $0x2;
	[sflag:s0] =	ssyncpa.u1 $0x1  }
0xc0: {  	[sflag:s30] =	ssyncpa.u1 $0x1  }
0xc1: {  	_ =	strace $0x90000047  }
0xc2: {  	s31 =	stileid.u32;
	[bflag:$0x2] =	sbarrier.arrive $0xFFFF  }
0xc3: {  	p0 =	sne.s32 s31, $0x0;
	s0 =	rddreg [dreg:$0x1]  }
0xc4: {  	s0 =	sadd.s32 @!p0 $0x100000, s0  }
0xc5: {  	[sflag:s0] =	ssyncadd.tile.s32 @!p0 $0x1;
	_ =	shalt  }
.Lfunc_end1:
_tile_overlayer_lowered:
.L_overlay_start_2:
0xc6: {  	(tag) =	ssettag $0x2  }
0xc7: {  	s0 =	rddreg [dreg:$0x0];
	s2 =	stileid.u32  }
0xc8: {  	s1 =	rddreg [dreg:$0x1];
	p0 =	sne.s32 s2, $0x0  }
0xc9: {  	s3 =	rddreg [dreg:$0x2];
	[bflag:$0x3] =	sbarrier.arrive $0xFFFF;
	s2 =	simm.s32 @!p0 $0x1C01  }
0xca: {  	[timem:s3], [sflag:s2] =	dma.local @!p0 [hbm:s0], s1  }
0xcb: {  	s0 =	simm.s32 @!p0 $0x1  }
0xcc: {  	_ =	swait.ge @!p0 [sflag:s0], s1  }
0xcd: {  	s1 =	ssub.s32 @!p0 $0x0, s1;
	[sflag:s0] =	ssyncset.done @!p0 $0x0  }
0xce: {  	[sflag:s0] =	ssyncadd.s32 @!p0 s1  }
0xcf: {  	[bflag:$0x3] =	sbarrier.arrive $0xFFFF  }
0xd0: {  	_ =	shalt  }

</sc_bundles>
